<compile_context>
chip_gen: v7x
topology: tpu7x:2x2x1
jax: 0.10.2.dev20260603
libtpu: 0.0.44.dev20260713+nightly
codegen_flags: <defaults>
</compile_context>

<pallas_src>
import functools

import jax
import jax.numpy as jnp
from jax import lax
from jax.experimental import pallas as pl
from jax.experimental.pallas import tpu as pltpu
from jax.experimental.pallas import tpu_sc as plsc

_NUM_ORIG = 1000000
_NUM_NEW = 1000
_D = 64
_L = 16

_NC = 2
_NS = 16
_NW = _NC * _NS

_B_TOTAL = 16384 * 50
_B_PER_W = _B_TOTAL // _NW
_C = 256
_NCHUNK = _B_PER_W // _C
_IDXW = 32
_NDMA = _C // _IDXW
_NGRP = _C // _L


def _body(ids_hbm, w_orig_hbm, w_new_hbm, out_hbm,
          w_new_v, ids_v, idx_v, rows_v, flag_v, sem_g0, sem_g1, sem_w0,
          sem_w1):
    c_id = lax.axis_index("c")
    s_id = lax.axis_index("s")
    wid = s_id * _NC + c_id
    base = wid * _B_PER_W
    sem_g = (sem_g0, sem_g1)
    sem_w = (sem_w0, sem_w1)

    pltpu.sync_copy(w_new_hbm, w_new_v)

    iota = lax.iota(jnp.int32, _L)

    def gather_descs(b):
        return [
            pltpu.make_async_copy(
                w_orig_hbm.at[idx_v.at[b, j]],
                rows_v.at[b].at[pl.ds(j * _IDXW, _IDXW)],
                sem_g[b],
            )
            for j in range(_NDMA)
        ]

    def write_desc(b, pos):
        return pltpu.make_async_copy(
            rows_v.at[b], out_hbm.at[pl.ds(pos, _C)], sem_w[b])

    def prep(chunk, b):
        pos = base + chunk * _C
        pltpu.sync_copy(ids_hbm.at[pl.ds(pos, _C)], ids_v.at[b])
        flag_v[b, pl.ds(0, _L)] = jnp.zeros((_L,), jnp.int32)

        def safe_body(g, carry):
            idvec = ids_v[b, pl.ds(g * _L, _L)]
            mask = idvec >= _NUM_ORIG
            safe = jnp.where(mask, 0, idvec)
            gpr = _IDXW // _L
            idx_v[b, g // gpr, pl.ds((g % gpr) * _L, _L)] = safe
            plsc.store_scatter(flag_v.at[b], [jnp.full((_L,), 0, jnp.int32)],
                               jnp.full((_L,), 1, jnp.int32), mask=mask)
            return carry

        lax.fori_loop(0, _NGRP, safe_body, 0)
        for d in gather_descs(b):
            d.start()

    def fixup(b):

        def fix_body(g, carry):
            idvec = ids_v[b, pl.ds(g * _L, _L)]
            mask = idvec >= _NUM_ORIG
            has_new = plsc.all_reduce_population_count(mask)[0] > 0

            @pl.when(has_new)
            def _fix():
                new_ids = jnp.where(mask, idvec - _NUM_ORIG, 0)
                row_pos = g * _L + iota

                def col_body(col, carry2):
                    colv = jnp.full((_L,), col, jnp.int32)
                    x = plsc.load_gather(w_new_v, [new_ids, colv], mask=mask)
                    plsc.store_scatter(rows_v.at[b], [row_pos, colv], x,
                                       mask=mask)
                    return carry2

                lax.fori_loop(0, _D, col_body, 0)

            return carry

        lax.fori_loop(0, _NGRP, fix_body, 0)

    prep(0, 0)

    def step_body(step, carry):
        for b in range(2):
            i = step * 2 + b
            nxt = i + 1

            @pl.when(nxt < _NCHUNK)
            def _prep():
                @pl.when(i >= 1)
                def _drain():
                    write_desc(1 - b, base).wait()

                prep(nxt, 1 - b)

            for d in gather_descs(b):
                d.wait()

            @pl.when(flag_v[b, pl.ds(0, _L)][0] > 0)
            def _fixup():
                fixup(b)
            write_desc(b, base + i * _C).start()
        return carry

    lax.fori_loop(0, _NCHUNK // 2, step_body, 0)

    write_desc(0, base).wait()
    write_desc(1, base).wait()


_ext_embed = functools.partial(
    pl.kernel,
    out_type=jax.ShapeDtypeStruct((_B_TOTAL, _D), jnp.float32),
    mesh=plsc.VectorSubcoreMesh(core_axis_name="c", subcore_axis_name="s"),
    compiler_params=pltpu.CompilerParams(
        needs_layout_passes=False, use_tc_tiling_on_sc=False),
    scratch_types=[
        pltpu.VMEM((_NUM_NEW, _D), jnp.float32),
        pltpu.VMEM((2, _C), jnp.int32),
        pltpu.VMEM((2, _NDMA, _IDXW), jnp.int32),
        pltpu.VMEM((2, _C, _D), jnp.float32),
        pltpu.VMEM((2, _L), jnp.int32),
        pltpu.SemaphoreType.DMA,
        pltpu.SemaphoreType.DMA,
        pltpu.SemaphoreType.DMA,
        pltpu.SemaphoreType.DMA,
    ],
)(_body)


def kernel(input_ids, W_orig, W_new):
    ids = input_ids.reshape(-1).astype(jnp.int32)
    out = _ext_embed(ids, W_orig, W_new)
    return out.reshape(input_ids.shape + (_D,))

# --- scband reference (transcript-rebuilt; emitter-appended) ---
"""Pipeline reference for scband-extended-embedding-1108101563099 (READ-ONLY COPY).

The authoritative reference and input builder live on the scoring server;
editing this copy changes nothing except your own understanding.
"""

import jax, jax.numpy as jnp
import numpy as np

NUM_ORIG = 1000000
NUM_NEW = 1000
EMBED_DIM = 64

def setup_inputs(seed: int = 0) -> dict:
    key = jax.random.key(seed)
    k1, k2, k3 = jax.random.split(key, 3)
    input_ids = jax.random.randint(k1, (16384, 50), 0, NUM_ORIG + NUM_NEW, dtype=jnp.int64)
    W_orig = jax.random.normal(k2, (NUM_ORIG, EMBED_DIM), dtype=jnp.float32)
    W_new = jax.random.normal(k3, (NUM_NEW, EMBED_DIM), dtype=jnp.float32)
    return {"input_ids": input_ids, "W_orig": W_orig, "W_new": W_new}

def reference(input_ids, W_orig, W_new):
    num_orig = W_orig.shape[0]
    is_new_token = input_ids >= num_orig
    # Gather from original table for non-new tokens (clamp new tokens to a safe index)
    safe_orig_ids = jnp.where(is_new_token, 0, input_ids)
    original_embeddings = jnp.take(W_orig, safe_orig_ids, axis=0)
    # Gather from the new (extended) table for new tokens
    safe_new_ids = jnp.where(is_new_token, input_ids - num_orig, 0)
    new_embeddings = jnp.take(W_new, safe_new_ids, axis=0)
    # Combine: equivalent to the torch zeros + boolean-mask scatter-assignment,
    # since every position is written exactly once by one of the two branches.
    combined_embeddings = jnp.where(is_new_token[..., None], new_embeddings, original_embeddings)
    return combined_embeddings

if __name__ == "__main__":
    import jax
    _d = setup_inputs()
    print(jax.jit(kernel)(*tuple(_d.values())))

</pallas_src>

<mosaic_0001>
#map = affine_map<(d0, d1) -> (0)>
#map1 = affine_map<(d0, d1) -> (0, 0)>
module attributes {stable_mosaic.version = 14 : i64} {
  func.func @_body(%arg0: i32, %arg1: i32, %arg2: memref<819200xi32, #tpu.memory_space<hbm>>, %arg3: memref<1000000x64xf32, #tpu.memory_space<hbm>>, %arg4: memref<1000x64xf32, #tpu.memory_space<hbm>>, %arg5: memref<819200x64xf32, #tpu.memory_space<hbm>>, %arg6: memref<1000x64xf32, #tpu.memory_space<vmem>>, %arg7: memref<2x256xi32, #tpu.memory_space<vmem>>, %arg8: memref<2x8x32xi32, #tpu.memory_space<vmem>>, %arg9: memref<2x256x64xf32, #tpu.memory_space<vmem>>, %arg10: memref<2x16xi32, #tpu.memory_space<vmem>>, %arg11: memref<!tpu.dma_semaphore, #tpu.memory_space<semaphore_mem>>, %arg12: memref<!tpu.dma_semaphore, #tpu.memory_space<semaphore_mem>>, %arg13: memref<!tpu.dma_semaphore, #tpu.memory_space<semaphore_mem>>, %arg14: memref<!tpu.dma_semaphore, #tpu.memory_space<semaphore_mem>>) attributes {dimension_semantics = [#tpu.dimension_semantics<core_parallel>, #tpu.dimension_semantics<subcore_parallel>], iteration_bounds = array<i64: 2, 16>, scalar_prefetch = 0 : i64, scratch_operands = 9 : i64, tpu.core_type = #tpu.core_type<sc_vector_subcore>, window_params = [{transform_indices = #map}, {transform_indices = #map1}, {transform_indices = #map1}, {transform_indices = #map1}]} {
    %mul3A = arith.constant 2 : i32
    %mul3A_0 = arith.muli %arg1, %mul3A : i32
    %add3A = arith.addi %mul3A_0, %arg0 : i32
    %mul3A_1 = arith.constant 25600 : i32
    %mul3A_2 = arith.muli %add3A, %mul3A_1 : i32
    "tpu.region"() ({
      %run_scoped3A_172 = tpu.sem_alloc : memref<!tpu.dma_semaphore, #tpu.memory_space<semaphore_mem>>
      tpu.enqueue_dma source(%arg4 : memref<1000x64xf32, #tpu.memory_space<hbm>>) target(%arg6 : memref<1000x64xf32, #tpu.memory_space<vmem>>) target_semaphore(%run_scoped3A_172 : memref<!tpu.dma_semaphore, #tpu.memory_space<semaphore_mem>>)
      tpu.wait_dma2 semaphore(%run_scoped3A_172 : memref<!tpu.dma_semaphore, #tpu.memory_space<semaphore_mem>>) src(%arg4 : memref<1000x64xf32, #tpu.memory_space<hbm>>) dst(%arg6 : memref<1000x64xf32, #tpu.memory_space<vmem>>)
      tpu.yield
    }) : () -> ()
    %iota3A = tpu.iota {dimensions = array<i32: 0>} : vector<16xi32>
    %add3A_3 = arith.constant 0 : i32
    %add3A_4 = arith.addi %mul3A_2, %add3A_3 : i32
    %run_scoped3A = arith.constant 0 : i32
    "tpu.region"() ({
      %run_scoped3A_172 = tpu.sem_alloc : memref<!tpu.dma_semaphore, #tpu.memory_space<semaphore_mem>>
      %dma_start3A_173 = arith.constant 0 : i32
      %dma_start3A_174 = tpu.memref_slice %arg7[%run_scoped3A, %dma_start3A_173] : memref<2x256xi32, #tpu.memory_space<vmem>> -> memref<1x256xi32, #tpu.memory_space<vmem>>
      %dma_start3A_175 = tpu.memref_squeeze %dma_start3A_174 : memref<1x256xi32, #tpu.memory_space<vmem>> -> memref<256xi32, #tpu.memory_space<vmem>>
      %dma_start3A_176 = tpu.memref_slice %arg2[%add3A_4] : memref<819200xi32, #tpu.memory_space<hbm>> -> memref<256xi32, #tpu.memory_space<hbm>>
      %dma_start3A_177 = arith.constant 0 : i32
      %dma_start3A_178 = tpu.memref_slice %arg7[%run_scoped3A, %dma_start3A_177] : memref<2x256xi32, #tpu.memory_space<vmem>> -> memref<1x256xi32, #tpu.memory_space<vmem>>
      %dma_start3A_179 = tpu.memref_squeeze %dma_start3A_178 : memref<1x256xi32, #tpu.memory_space<vmem>> -> memref<256xi32, #tpu.memory_space<vmem>>
      %dma_start3A_180 = tpu.memref_slice %arg2[%add3A_4] : memref<819200xi32, #tpu.memory_space<hbm>> -> memref<256xi32, #tpu.memory_space<hbm>>
      tpu.enqueue_dma source(%dma_start3A_180 : memref<256xi32, #tpu.memory_space<hbm>>) target(%dma_start3A_179 : memref<256xi32, #tpu.memory_space<vmem>>) target_semaphore(%run_scoped3A_172 : memref<!tpu.dma_semaphore, #tpu.memory_space<semaphore_mem>>)
      %dma_wait3A_181 = arith.constant 0 : i32
      %dma_wait3A_182 = tpu.memref_slice %arg7[%run_scoped3A, %dma_wait3A_181] : memref<2x256xi32, #tpu.memory_space<vmem>> -> memref<1x256xi32, #tpu.memory_space<vmem>>
      %dma_wait3A_183 = tpu.memref_squeeze %dma_wait3A_182 : memref<1x256xi32, #tpu.memory_space<vmem>> -> memref<256xi32, #tpu.memory_space<vmem>>
      %dma_wait3A_184 = tpu.memref_slice %arg2[%add3A_4] : memref<819200xi32, #tpu.memory_space<hbm>> -> memref<256xi32, #tpu.memory_space<hbm>>
      %dma_wait3A_185 = arith.constant 0 : i32
      %dma_wait3A_186 = tpu.memref_slice %arg7[%run_scoped3A, %dma_wait3A_185] : memref<2x256xi32, #tpu.memory_space<vmem>> -> memref<1x256xi32, #tpu.memory_space<vmem>>
      %dma_wait3A_187 = tpu.memref_squeeze %dma_wait3A_186 : memref<1x256xi32, #tpu.memory_space<vmem>> -> memref<256xi32, #tpu.memory_space<vmem>>
      %dma_wait3A_188 = tpu.memref_slice %arg2[%add3A_4] : memref<819200xi32, #tpu.memory_space<hbm>> -> memref<256xi32, #tpu.memory_space<hbm>>
      tpu.wait_dma2 semaphore(%run_scoped3A_172 : memref<!tpu.dma_semaphore, #tpu.memory_space<semaphore_mem>>) src(%dma_wait3A_188 : memref<256xi32, #tpu.memory_space<hbm>>) dst(%dma_wait3A_187 : memref<256xi32, #tpu.memory_space<vmem>>)
      tpu.yield
    }) : () -> ()
    %broadcast_in_dim3A = arith.constant 0 : i32
    %broadcast_in_dim3A_5 = vector.broadcast %broadcast_in_dim3A : i32 to vector<16xi32>
    %swap3A = arith.constant 0 : i32
    %swap3A_6 = arith.index_cast %swap3A : i32 to index
    %swap3A_7 = arith.constant 0 : index
    %swap3A_8 = tpu.vector_load %arg10[%swap3A_6, %swap3A_7] {strides = array<i32>} : memref<2x16xi32, #tpu.memory_space<vmem>>, vector<16xi32>,
    tpu.vector_store %arg10[%swap3A_6, %swap3A_7], %broadcast_in_dim3A_5 {strides = array<i32>} : memref<2x16xi32, #tpu.memory_space<vmem>>, vector<16xi32>,
    %scan3A = arith.constant 0 : i32
    %scan3A_9 = arith.constant 0 : i32
    %scan3A_10 = arith.constant 16 : i32
    %scan3A_11 = arith.addi %scan3A_9, %scan3A_10 : i32
    %scan3A_12 = arith.constant 1 : i32
    scf.for %scan3A_172 = %scan3A_9 to %scan3A_11 step %scan3A_12  : i32 {
      %mul3A_173 = arith.constant 16 : i32
      %mul3A_174 = arith.muli %scan3A_172, %mul3A_173 : i32
      %get3A = arith.constant 0 : i32
      %get3A_175 = arith.index_cast %get3A : i32 to index
      %get3A_176 = arith.index_cast %mul3A_174 : i32 to index
      %get3A_177 = tpu.vector_load %arg7[%get3A_175, %get3A_176] {strides = array<i32>} : memref<2x256xi32, #tpu.memory_space<vmem>>, vector<16xi32>,
      %ge3A = arith.constant 1000000 : i32
      %ge3A_178 = vector.broadcast %ge3A : i32 to vector<16xi32>
      %ge3A_179 = arith.cmpi sge, %get3A_177, %ge3A_178 : vector<16xi32>
      %jit3A = arith.constant 0 : i32
      %broadcast_in_dim3A_180 = vector.broadcast %jit3A : i32 to vector<16xi32>
      %select_n3A = arith.select %ge3A_179, %broadcast_in_dim3A_180, %get3A_177 : vector<16xi1>, vector<16xi32>
      %jit3A_181 = arith.constant 2 : i32
      %div3A = arith.divsi %scan3A_172, %jit3A_181 : i32
      %sign3A = arith.constant 0 : i32
      %sign3A_182 = arith.cmpi sgt, %scan3A_172, %sign3A : i32
      %sign3A_183 = arith.extui %sign3A_182 : i1 to i32
      %sign3A_184 = arith.constant 0 : i32
      %sign3A_185 = arith.cmpi slt, %scan3A_172, %sign3A_184 : i32
      %sign3A_186 = arith.extui %sign3A_185 : i1 to i32
      %sign3A_187 = arith.subi %sign3A_183, %sign3A_186 : i32
      %sign3A_188 = arith.constant 0 : i32
      %sign3A_189 = arith.cmpi sgt, %jit3A_181, %sign3A_188 : i32
      %sign3A_190 = arith.extui %sign3A_189 : i1 to i32
      %sign3A_191 = arith.constant 0 : i32
      %sign3A_192 = arith.cmpi slt, %jit3A_181, %sign3A_191 : i32
      %sign3A_193 = arith.extui %sign3A_192 : i1 to i32
      %sign3A_194 = arith.subi %sign3A_190, %sign3A_193 : i32
      %ne3A = arith.cmpi ne, %sign3A_187, %sign3A_194 : i32
      %rem3A = arith.remsi %scan3A_172, %jit3A_181 : i32
      %ne3A_195 = arith.constant 0 : i32
      %ne3A_196 = arith.cmpi ne, %rem3A, %ne3A_195 : i32
      %and3A = arith.andi %ne3A, %ne3A_196 : i1
      %sub3A = arith.constant 1 : i32
      %sub3A_197 = arith.subi %div3A, %sub3A : i32
      %select_n3A_198 = arith.select %and3A, %sub3A_197, %div3A : i32
      %jit3A_199 = arith.constant 2 : i32
      %eq3A = arith.constant 0 : i32
      %eq3A_200 = arith.cmpi eq, %jit3A_199, %eq3A : i32
      %jit3A_201 = arith.constant 1 : i32
      %select_n3A_202 = arith.select %eq3A_200, %jit3A_201, %jit3A_199 : i32
      %rem3A_203 = arith.remsi %scan3A_172, %select_n3A_202 : i32
      %ne3A_204 = arith.constant 0 : i32
      %ne3A_205 = arith.cmpi ne, %rem3A_203, %ne3A_204 : i32
      %lt3A = arith.constant 0 : i32
      %lt3A_206 = arith.cmpi slt, %rem3A_203, %lt3A : i32
      %lt3A_207 = arith.constant 0 : i32
      %lt3A_208 = arith.cmpi slt, %select_n3A_202, %lt3A_207 : i32
      %ne3A_209 = arith.xori %lt3A_206, %lt3A_208 : i1
      %and3A_210 = arith.andi %ne3A_209, %ne3A_205 : i1
      %add3A_211 = arith.addi %rem3A_203, %select_n3A_202 : i32
      %select_n3A_212 = arith.select %and3A_210, %add3A_211, %rem3A_203 : i32
      %mul3A_213 = arith.constant 16 : i32
      %mul3A_214 = arith.muli %select_n3A_212, %mul3A_213 : i32
      %swap3A_215 = arith.constant 0 : i32
      %swap3A_216 = arith.index_cast %swap3A_215 : i32 to index
      %swap3A_217 = arith.index_cast %select_n3A_198 : i32 to index
      %swap3A_218 = arith.index_cast %mul3A_214 : i32 to index
      %swap3A_219 = tpu.vector_load %arg8[%swap3A_216, %swap3A_217, %swap3A_218] {strides = array<i32>} : memref<2x8x32xi32, #tpu.memory_space<vmem>>, vector<16xi32>,
      tpu.vector_store %arg8[%swap3A_216, %swap3A_217, %swap3A_218], %select_n3A {strides = array<i32>} : memref<2x8x32xi32, #tpu.memory_space<vmem>>, vector<16xi32>,
      %broadcast_in_dim3A_220 = arith.constant 0 : i32
      %broadcast_in_dim3A_221 = vector.broadcast %broadcast_in_dim3A_220 : i32 to vector<16xi32>
      %broadcast_in_dim3A_222 = arith.constant 1 : i32
      %broadcast_in_dim3A_223 = vector.broadcast %broadcast_in_dim3A_222 : i32 to vector<16xi32>
      %scatter3A = arith.constant 0 : i32
      %scatter3A_224 = arith.constant 0 : i32
      %scatter3A_225 = tpu.memref_slice %arg10[%scatter3A, %scatter3A_224] : memref<2x16xi32, #tpu.memory_space<vmem>> -> memref<1x16xi32, #tpu.memory_space<vmem>>
      %scatter3A_226 = tpu.memref_squeeze %scatter3A_225 : memref<1x16xi32, #tpu.memory_space<vmem>> -> memref<16xi32, #tpu.memory_space<vmem>>
      tpu.vector_store_idx %scatter3A_226[%broadcast_in_dim3A_221], %broadcast_in_dim3A_223 masked %ge3A_179 : memref<16xi32, #tpu.memory_space<vmem>>[vector<16xi32>], vector<16xi32>, vector<16xi1>
    }
    %scan3A_13 = arith.constant 16 : i32
    %dma_start3A = arith.constant 0 : i32
    %dma_start3A_14 = arith.constant 0 : i32
    %dma_start3A_15 = arith.constant 0 : i32
    %dma_start3A_16 = arith.constant 0 : i32
    %dma_start3A_17 = arith.constant 0 : i32
    %dma_start3A_18 = tpu.memref_slice %arg9[%dma_start3A_15, %dma_start3A_16, %dma_start3A_17] : memref<2x256x64xf32, #tpu.memory_space<vmem>> -> memref<1x256x64xf32, #tpu.memory_space<vmem>>
    %dma_start3A_19 = tpu.memref_squeeze %dma_start3A_18 : memref<1x256x64xf32, #tpu.memory_space<vmem>> -> memref<256x64xf32, #tpu.memory_space<vmem>>
    %dma_start3A_20 = arith.constant 0 : i32
    %dma_start3A_21 = arith.constant 0 : i32
    %dma_start3A_22 = tpu.memref_slice %dma_start3A_19[%dma_start3A_20, %dma_start3A_21] : memref<256x64xf32, #tpu.memory_space<vmem>> -> memref<32x64xf32, #tpu.memory_space<vmem>>
    %dma_start3A_23 = arith.constant 0 : i32
    %dma_start3A_24 = tpu.memref_slice %arg8[%dma_start3A, %dma_start3A_14, %dma_start3A_23] : memref<2x8x32xi32, #tpu.memory_space<vmem>> -> memref<1x1x32xi32, #tpu.memory_space<vmem>>
    %dma_start3A_25 = tpu.memref_squeeze %dma_start3A_24 : memref<1x1x32xi32, #tpu.memory_space<vmem>> -> memref<32xi32, #tpu.memory_space<vmem>>
    %dma_start3A_26 = arith.constant 0 : i32
    %dma_start3A_27 = arith.constant 0 : i32
    %dma_start3A_28 = tpu.memref_slice %arg3[%dma_start3A_26, %dma_start3A_27] : memref<1000000x64xf32, #tpu.memory_space<hbm>> -> memref<1000000x64xf32, #tpu.memory_space<hbm>>
    tpu.enqueue_indirect_dma source(%dma_start3A_28 : memref<1000000x64xf32, #tpu.memory_space<hbm>>) target(%dma_start3A_22 : memref<32x64xf32, #tpu.memory_space<vmem>>) offsets(%dma_start3A_25 : memref<32xi32, #tpu.memory_space<vmem>>) semaphore(%arg11 : memref<!tpu.dma_semaphore, #tpu.memory_space<semaphore_mem>>)
    %dma_start3A_29 = arith.constant 0 : i32
    %dma_start3A_30 = arith.constant 1 : i32
    %dma_start3A_31 = arith.constant 0 : i32
    %dma_start3A_32 = arith.constant 0 : i32
    %dma_start3A_33 = arith.constant 0 : i32
    %dma_start3A_34 = tpu.memref_slice %arg9[%dma_start3A_31, %dma_start3A_32, %dma_start3A_33] : memref<2x256x64xf32, #tpu.memory_space<vmem>> -> memref<1x256x64xf32, #tpu.memory_space<vmem>>
    %dma_start3A_35 = tpu.memref_squeeze %dma_start3A_34 : memref<1x256x64xf32, #tpu.memory_space<vmem>> -> memref<256x64xf32, #tpu.memory_space<vmem>>
    %dma_start3A_36 = arith.constant 32 : i32
    %dma_start3A_37 = arith.constant 0 : i32
    %dma_start3A_38 = tpu.memref_slice %dma_start3A_35[%dma_start3A_36, %dma_start3A_37] : memref<256x64xf32, #tpu.memory_space<vmem>> -> memref<32x64xf32, #tpu.memory_space<vmem>>
    %dma_start3A_39 = arith.constant 0 : i32
    %dma_start3A_40 = tpu.memref_slice %arg8[%dma_start3A_29, %dma_start3A_30, %dma_start3A_39] : memref<2x8x32xi32, #tpu.memory_space<vmem>> -> memref<1x1x32xi32, #tpu.memory_space<vmem>>
    %dma_start3A_41 = tpu.memref_squeeze %dma_start3A_40 : memref<1x1x32xi32, #tpu.memory_space<vmem>> -> memref<32xi32, #tpu.memory_space<vmem>>
    %dma_start3A_42 = arith.constant 0 : i32
    %dma_start3A_43 = arith.constant 0 : i32
    %dma_start3A_44 = tpu.memref_slice %arg3[%dma_start3A_42, %dma_start3A_43] : memref<1000000x64xf32, #tpu.memory_space<hbm>> -> memref<1000000x64xf32, #tpu.memory_space<hbm>>
    tpu.enqueue_indirect_dma source(%dma_start3A_44 : memref<1000000x64xf32, #tpu.memory_space<hbm>>) target(%dma_start3A_38 : memref<32x64xf32, #tpu.memory_space<vmem>>) offsets(%dma_start3A_41 : memref<32xi32, #tpu.memory_space<vmem>>) semaphore(%arg11 : memref<!tpu.dma_semaphore, #tpu.memory_space<semaphore_mem>>)
    %dma_start3A_45 = arith.constant 0 : i32
    %dma_start3A_46 = arith.constant 2 : i32
    %dma_start3A_47 = arith.constant 0 : i32
    %dma_start3A_48 = arith.constant 0 : i32
    %dma_start3A_49 = arith.constant 0 : i32
    %dma_start3A_50 = tpu.memref_slice %arg9[%dma_start3A_47, %dma_start3A_48, %dma_start3A_49] : memref<2x256x64xf32, #tpu.memory_space<vmem>> -> memref<1x256x64xf32, #tpu.memory_space<vmem>>
    %dma_start3A_51 = tpu.memref_squeeze %dma_start3A_50 : memref<1x256x64xf32, #tpu.memory_space<vmem>> -> memref<256x64xf32, #tpu.memory_space<vmem>>
    %dma_start3A_52 = arith.constant 64 : i32
    %dma_start3A_53 = arith.constant 0 : i32
    %dma_start3A_54 = tpu.memref_slice %dma_start3A_51[%dma_start3A_52, %dma_start3A_53] : memref<256x64xf32, #tpu.memory_space<vmem>> -> memref<32x64xf32, #tpu.memory_space<vmem>>
    %dma_start3A_55 = arith.constant 0 : i32
    %dma_start3A_56 = tpu.memref_slice %arg8[%dma_start3A_45, %dma_start3A_46, %dma_start3A_55] : memref<2x8x32xi32, #tpu.memory_space<vmem>> -> memref<1x1x32xi32, #tpu.memory_space<vmem>>
    %dma_start3A_57 = tpu.memref_squeeze %dma_start3A_56 : memref<1x1x32xi32, #tpu.memory_space<vmem>> -> memref<32xi32, #tpu.memory_space<vmem>>
    %dma_start3A_58 = arith.constant 0 : i32
    %dma_start3A_59 = arith.constant 0 : i32
    %dma_start3A_60 = tpu.memref_slice %arg3[%dma_start3A_58, %dma_start3A_59] : memref<1000000x64xf32, #tpu.memory_space<hbm>> -> memref<1000000x64xf32, #tpu.memory_space<hbm>>
    tpu.enqueue_indirect_dma source(%dma_start3A_60 : memref<1000000x64xf32, #tpu.memory_space<hbm>>) target(%dma_start3A_54 : memref<32x64xf32, #tpu.memory_space<vmem>>) offsets(%dma_start3A_57 : memref<32xi32, #tpu.memory_space<vmem>>) semaphore(%arg11 : memref<!tpu.dma_semaphore, #tpu.memory_space<semaphore_mem>>)
    %dma_start3A_61 = arith.constant 0 : i32
    %dma_start3A_62 = arith.constant 3 : i32
    %dma_start3A_63 = arith.constant 0 : i32
    %dma_start3A_64 = arith.constant 0 : i32
    %dma_start3A_65 = arith.constant 0 : i32
    %dma_start3A_66 = tpu.memref_slice %arg9[%dma_start3A_63, %dma_start3A_64, %dma_start3A_65] : memref<2x256x64xf32, #tpu.memory_space<vmem>> -> memref<1x256x64xf32, #tpu.memory_space<vmem>>
    %dma_start3A_67 = tpu.memref_squeeze %dma_start3A_66 : memref<1x256x64xf32, #tpu.memory_space<vmem>> -> memref<256x64xf32, #tpu.memory_space<vmem>>
    %dma_start3A_68 = arith.constant 96 : i32
    %dma_start3A_69 = arith.constant 0 : i32
    %dma_start3A_70 = tpu.memref_slice %dma_start3A_67[%dma_start3A_68, %dma_start3A_69] : memref<256x64xf32, #tpu.memory_space<vmem>> -> memref<32x64xf32, #tpu.memory_space<vmem>>
    %dma_start3A_71 = arith.constant 0 : i32
    %dma_start3A_72 = tpu.memref_slice %arg8[%dma_start3A_61, %dma_start3A_62, %dma_start3A_71] : memref<2x8x32xi32, #tpu.memory_space<vmem>> -> memref<1x1x32xi32, #tpu.memory_space<vmem>>
    %dma_start3A_73 = tpu.memref_squeeze %dma_start3A_72 : memref<1x1x32xi32, #tpu.memory_space<vmem>> -> memref<32xi32, #tpu.memory_space<vmem>>
    %dma_start3A_74 = arith.constant 0 : i32
    %dma_start3A_75 = arith.constant 0 : i32
    %dma_start3A_76 = tpu.memref_slice %arg3[%dma_start3A_74, %dma_start3A_75] : memref<1000000x64xf32, #tpu.memory_space<hbm>> -> memref<1000000x64xf32, #tpu.memory_space<hbm>>
    tpu.enqueue_indirect_dma source(%dma_start3A_76 : memref<1000000x64xf32, #tpu.memory_space<hbm>>) target(%dma_start3A_70 : memref<32x64xf32, #tpu.memory_space<vmem>>) offsets(%dma_start3A_73 : memref<32xi32, #tpu.memory_space<vmem>>) semaphore(%arg11 : memref<!tpu.dma_semaphore, #tpu.memory_space<semaphore_mem>>)
    %dma_start3A_77 = arith.constant 0 : i32
    %dma_start3A_78 = arith.constant 4 : i32
    %dma_start3A_79 = arith.constant 0 : i32
    %dma_start3A_80 = arith.constant 0 : i32
    %dma_start3A_81 = arith.constant 0 : i32
    %dma_start3A_82 = tpu.memref_slice %arg9[%dma_start3A_79, %dma_start3A_80, %dma_start3A_81] : memref<2x256x64xf32, #tpu.memory_space<vmem>> -> memref<1x256x64xf32, #tpu.memory_space<vmem>>
    %dma_start3A_83 = tpu.memref_squeeze %dma_start3A_82 : memref<1x256x64xf32, #tpu.memory_space<vmem>> -> memref<256x64xf32, #tpu.memory_space<vmem>>
    %dma_start3A_84 = arith.constant 128 : i32
    %dma_start3A_85 = arith.constant 0 : i32
    %dma_start3A_86 = tpu.memref_slice %dma_start3A_83[%dma_start3A_84, %dma_start3A_85] : memref<256x64xf32, #tpu.memory_space<vmem>> -> memref<32x64xf32, #tpu.memory_space<vmem>>
    %dma_start3A_87 = arith.constant 0 : i32
    %dma_start3A_88 = tpu.memref_slice %arg8[%dma_start3A_77, %dma_start3A_78, %dma_start3A_87] : memref<2x8x32xi32, #tpu.memory_space<vmem>> -> memref<1x1x32xi32, #tpu.memory_space<vmem>>
    %dma_start3A_89 = tpu.memref_squeeze %dma_start3A_88 : memref<1x1x32xi32, #tpu.memory_space<vmem>> -> memref<32xi32, #tpu.memory_space<vmem>>
    %dma_start3A_90 = arith.constant 0 : i32
    %dma_start3A_91 = arith.constant 0 : i32
    %dma_start3A_92 = tpu.memref_slice %arg3[%dma_start3A_90, %dma_start3A_91] : memref<1000000x64xf32, #tpu.memory_space<hbm>> -> memref<1000000x64xf32, #tpu.memory_space<hbm>>
    tpu.enqueue_indirect_dma source(%dma_start3A_92 : memref<1000000x64xf32, #tpu.memory_space<hbm>>) target(%dma_start3A_86 : memref<32x64xf32, #tpu.memory_space<vmem>>) offsets(%dma_start3A_89 : memref<32xi32, #tpu.memory_space<vmem>>) semaphore(%arg11 : memref<!tpu.dma_semaphore, #tpu.memory_space<semaphore_mem>>)
    %dma_start3A_93 = arith.constant 0 : i32
    %dma_start3A_94 = arith.constant 5 : i32
    %dma_start3A_95 = arith.constant 0 : i32
    %dma_start3A_96 = arith.constant 0 : i32
    %dma_start3A_97 = arith.constant 0 : i32
    %dma_start3A_98 = tpu.memref_slice %arg9[%dma_start3A_95, %dma_start3A_96, %dma_start3A_97] : memref<2x256x64xf32, #tpu.memory_space<vmem>> -> memref<1x256x64xf32, #tpu.memory_space<vmem>>
    %dma_start3A_99 = tpu.memref_squeeze %dma_start3A_98 : memref<1x256x64xf32, #tpu.memory_space<vmem>> -> memref<256x64xf32, #tpu.memory_space<vmem>>
    %dma_start3A_100 = arith.constant 160 : i32
    %dma_start3A_101 = arith.constant 0 : i32
    %dma_start3A_102 = tpu.memref_slice %dma_start3A_99[%dma_start3A_100, %dma_start3A_101] : memref<256x64xf32, #tpu.memory_space<vmem>> -> memref<32x64xf32, #tpu.memory_space<vmem>>
    %dma_start3A_103 = arith.constant 0 : i32
    %dma_start3A_104 = tpu.memref_slice %arg8[%dma_start3A_93, %dma_start3A_94, %dma_start3A_103] : memref<2x8x32xi32, #tpu.memory_space<vmem>> -> memref<1x1x32xi32, #tpu.memory_space<vmem>>
    %dma_start3A_105 = tpu.memref_squeeze %dma_start3A_104 : memref<1x1x32xi32, #tpu.memory_space<vmem>> -> memref<32xi32, #tpu.memory_space<vmem>>
    %dma_start3A_106 = arith.constant 0 : i32
    %dma_start3A_107 = arith.constant 0 : i32
    %dma_start3A_108 = tpu.memref_slice %arg3[%dma_start3A_106, %dma_start3A_107] : memref<1000000x64xf32, #tpu.memory_space<hbm>> -> memref<1000000x64xf32, #tpu.memory_space<hbm>>
    tpu.enqueue_indirect_dma source(%dma_start3A_108 : memref<1000000x64xf32, #tpu.memory_space<hbm>>) target(%dma_start3A_102 : memref<32x64xf32, #tpu.memory_space<vmem>>) offsets(%dma_start3A_105 : memref<32xi32, #tpu.memory_space<vmem>>) semaphore(%arg11 : memref<!tpu.dma_semaphore, #tpu.memory_space<semaphore_mem>>)
    %dma_start3A_109 = arith.constant 0 : i32
    %dma_start3A_110 = arith.constant 6 : i32
    %dma_start3A_111 = arith.constant 0 : i32
    %dma_start3A_112 = arith.constant 0 : i32
    %dma_start3A_113 = arith.constant 0 : i32
    %dma_start3A_114 = tpu.memref_slice %arg9[%dma_start3A_111, %dma_start3A_112, %dma_start3A_113] : memref<2x256x64xf32, #tpu.memory_space<vmem>> -> memref<1x256x64xf32, #tpu.memory_space<vmem>>
    %dma_start3A_115 = tpu.memref_squeeze %dma_start3A_114 : memref<1x256x64xf32, #tpu.memory_space<vmem>> -> memref<256x64xf32, #tpu.memory_space<vmem>>
    %dma_start3A_116 = arith.constant 192 : i32
    %dma_start3A_117 = arith.constant 0 : i32
    %dma_start3A_118 = tpu.memref_slice %dma_start3A_115[%dma_start3A_116, %dma_start3A_117] : memref<256x64xf32, #tpu.memory_space<vmem>> -> memref<32x64xf32, #tpu.memory_space<vmem>>
    %dma_start3A_119 = arith.constant 0 : i32
    %dma_start3A_120 = tpu.memref_slice %arg8[%dma_start3A_109, %dma_start3A_110, %dma_start3A_119] : memref<2x8x32xi32, #tpu.memory_space<vmem>> -> memref<1x1x32xi32, #tpu.memory_space<vmem>>
    %dma_start3A_121 = tpu.memref_squeeze %dma_start3A_120 : memref<1x1x32xi32, #tpu.memory_space<vmem>> -> memref<32xi32, #tpu.memory_space<vmem>>
    %dma_start3A_122 = arith.constant 0 : i32
    %dma_start3A_123 = arith.constant 0 : i32
    %dma_start3A_124 = tpu.memref_slice %arg3[%dma_start3A_122, %dma_start3A_123] : memref<1000000x64xf32, #tpu.memory_space<hbm>> -> memref<1000000x64xf32, #tpu.memory_space<hbm>>
    tpu.enqueue_indirect_dma source(%dma_start3A_124 : memref<1000000x64xf32, #tpu.memory_space<hbm>>) target(%dma_start3A_118 : memref<32x64xf32, #tpu.memory_space<vmem>>) offsets(%dma_start3A_121 : memref<32xi32, #tpu.memory_space<vmem>>) semaphore(%arg11 : memref<!tpu.dma_semaphore, #tpu.memory_space<semaphore_mem>>)
    %dma_start3A_125 = arith.constant 0 : i32
    %dma_start3A_126 = arith.constant 7 : i32
    %dma_start3A_127 = arith.constant 0 : i32
    %dma_start3A_128 = arith.constant 0 : i32
    %dma_start3A_129 = arith.constant 0 : i32
    %dma_start3A_130 = tpu.memref_slice %arg9[%dma_start3A_127, %dma_start3A_128, %dma_start3A_129] : memref<2x256x64xf32, #tpu.memory_space<vmem>> -> memref<1x256x64xf32, #tpu.memory_space<vmem>>
    %dma_start3A_131 = tpu.memref_squeeze %dma_start3A_130 : memref<1x256x64xf32, #tpu.memory_space<vmem>> -> memref<256x64xf32, #tpu.memory_space<vmem>>
    %dma_start3A_132 = arith.constant 224 : i32
    %dma_start3A_133 = arith.constant 0 : i32
    %dma_start3A_134 = tpu.memref_slice %dma_start3A_131[%dma_start3A_132, %dma_start3A_133] : memref<256x64xf32, #tpu.memory_space<vmem>> -> memref<32x64xf32, #tpu.memory_space<vmem>>
    %dma_start3A_135 = arith.constant 0 : i32
    %dma_start3A_136 = tpu.memref_slice %arg8[%dma_start3A_125, %dma_start3A_126, %dma_start3A_135] : memref<2x8x32xi32, #tpu.memory_space<vmem>> -> memref<1x1x32xi32, #tpu.memory_space<vmem>>
    %dma_start3A_137 = tpu.memref_squeeze %dma_start3A_136 : memref<1x1x32xi32, #tpu.memory_space<vmem>> -> memref<32xi32, #tpu.memory_space<vmem>>
    %dma_start3A_138 = arith.constant 0 : i32
    %dma_start3A_139 = arith.constant 0 : i32
    %dma_start3A_140 = tpu.memref_slice %arg3[%dma_start3A_138, %dma_start3A_139] : memref<1000000x64xf32, #tpu.memory_space<hbm>> -> memref<1000000x64xf32, #tpu.memory_space<hbm>>
    tpu.enqueue_indirect_dma source(%dma_start3A_140 : memref<1000000x64xf32, #tpu.memory_space<hbm>>) target(%dma_start3A_134 : memref<32x64xf32, #tpu.memory_space<vmem>>) offsets(%dma_start3A_137 : memref<32xi32, #tpu.memory_space<vmem>>) semaphore(%arg11 : memref<!tpu.dma_semaphore, #tpu.memory_space<semaphore_mem>>)
    %scan3A_141 = arith.constant 0 : i32
    %scan3A_142 = arith.constant 0 : i32
    %scan3A_143 = arith.constant 50 : i32
    %scan3A_144 = arith.addi %scan3A_142, %scan3A_143 : i32
    %scan3A_145 = arith.constant 1 : i32
    scf.for %scan3A_172 = %scan3A_142 to %scan3A_144 step %scan3A_145  : i32 {
      %mul3A_173 = arith.constant 2 : i32
      %mul3A_174 = arith.muli %scan3A_172, %mul3A_173 : i32
      %add3A_175 = arith.constant 0 : i32
      %add3A_176 = arith.addi %mul3A_174, %add3A_175 : i32
      %add3A_177 = arith.constant 1 : i32
      %add3A_178 = arith.addi %add3A_176, %add3A_177 : i32
      %lt3A = arith.constant 100 : i32
      %lt3A_179 = arith.cmpi slt, %add3A_178, %lt3A : i32
      %convert_element_type3A = arith.extui %lt3A_179 : i1 to i32
      %cond3A = arith.constant 0 : i32
      %cond3A_180 = arith.cmpi ne, %convert_element_type3A, %cond3A : i32
      scf.if %cond3A_180 {
        %ge3A = arith.constant 1 : i32
        %ge3A_498 = arith.cmpi sge, %add3A_176, %ge3A : i32
        %convert_element_type3A_499 = arith.extui %ge3A_498 : i1 to i32
        %cond3A_500 = arith.constant 0 : i32
        %cond3A_501 = arith.cmpi ne, %convert_element_type3A_499, %cond3A_500 : i32
        scf.if %cond3A_501 {
          %dma_wait3A_646 = arith.constant 1 : i32
          %dma_wait3A_647 = arith.constant 0 : i32
          %dma_wait3A_648 = arith.constant 0 : i32
          %dma_wait3A_649 = tpu.memref_slice %arg9[%dma_wait3A_646, %dma_wait3A_647, %dma_wait3A_648] : memref<2x256x64xf32, #tpu.memory_space<vmem>> -> memref<1x256x64xf32, #tpu.memory_space<vmem>>
          %dma_wait3A_650 = tpu.memref_squeeze %dma_wait3A_649 : memref<1x256x64xf32, #tpu.memory_space<vmem>> -> memref<256x64xf32, #tpu.memory_space<vmem>>
          %dma_wait3A_651 = arith.constant 0 : i32
          %dma_wait3A_652 = tpu.memref_slice %arg5[%mul3A_2, %dma_wait3A_651] : memref<819200x64xf32, #tpu.memory_space<hbm>> -> memref<256x64xf32, #tpu.memory_space<hbm>>
          %dma_wait3A_653 = arith.constant 0 : i32
          %dma_wait3A_654 = tpu.memref_slice %arg5[%mul3A_2, %dma_wait3A_653] : memref<819200x64xf32, #tpu.memory_space<hbm>> -> memref<256x64xf32, #tpu.memory_space<hbm>>
          %dma_wait3A_655 = arith.constant 0 : i32
          %dma_wait3A_656 = arith.constant 0 : i32
          %dma_wait3A_657 = tpu.memref_slice %arg9[%dma_wait3A_646, %dma_wait3A_655, %dma_wait3A_656] : memref<2x256x64xf32, #tpu.memory_space<vmem>> -> memref<1x256x64xf32, #tpu.memory_space<vmem>>
          %dma_wait3A_658 = tpu.memref_squeeze %dma_wait3A_657 : memref<1x256x64xf32, #tpu.memory_space<vmem>> -> memref<256x64xf32, #tpu.memory_space<vmem>>
          tpu.wait_dma2 semaphore(%arg14 : memref<!tpu.dma_semaphore, #tpu.memory_space<semaphore_mem>>) src(%dma_wait3A_658 : memref<256x64xf32, #tpu.memory_space<vmem>>) dst(%dma_wait3A_654 : memref<256x64xf32, #tpu.memory_space<hbm>>)
        } else {
        }
        %mul3A_502 = arith.constant 256 : i32
        %mul3A_503 = arith.muli %add3A_178, %mul3A_502 : i32
        %add3A_504 = arith.addi %mul3A_2, %mul3A_503 : i32
        %run_scoped3A_505 = arith.constant 1 : i32
        "tpu.region"() ({
          %run_scoped3A_646 = tpu.sem_alloc : memref<!tpu.dma_semaphore, #tpu.memory_space<semaphore_mem>>
          %dma_start3A_647 = arith.constant 0 : i32
          %dma_start3A_648 = tpu.memref_slice %arg7[%run_scoped3A_505, %dma_start3A_647] : memref<2x256xi32, #tpu.memory_space<vmem>> -> memref<1x256xi32, #tpu.memory_space<vmem>>
          %dma_start3A_649 = tpu.memref_squeeze %dma_start3A_648 : memref<1x256xi32, #tpu.memory_space<vmem>> -> memref<256xi32, #tpu.memory_space<vmem>>
          %dma_start3A_650 = tpu.memref_slice %arg2[%add3A_504] : memref<819200xi32, #tpu.memory_space<hbm>> -> memref<256xi32, #tpu.memory_space<hbm>>
          %dma_start3A_651 = arith.constant 0 : i32
          %dma_start3A_652 = tpu.memref_slice %arg7[%run_scoped3A_505, %dma_start3A_651] : memref<2x256xi32, #tpu.memory_space<vmem>> -> memref<1x256xi32, #tpu.memory_space<vmem>>
          %dma_start3A_653 = tpu.memref_squeeze %dma_start3A_652 : memref<1x256xi32, #tpu.memory_space<vmem>> -> memref<256xi32, #tpu.memory_space<vmem>>
          %dma_start3A_654 = tpu.memref_slice %arg2[%add3A_504] : memref<819200xi32, #tpu.memory_space<hbm>> -> memref<256xi32, #tpu.memory_space<hbm>>
          tpu.enqueue_dma source(%dma_start3A_654 : memref<256xi32, #tpu.memory_space<hbm>>) target(%dma_start3A_653 : memref<256xi32, #tpu.memory_space<vmem>>) target_semaphore(%run_scoped3A_646 : memref<!tpu.dma_semaphore, #tpu.memory_space<semaphore_mem>>)
          %dma_wait3A_655 = arith.constant 0 : i32
          %dma_wait3A_656 = tpu.memref_slice %arg7[%run_scoped3A_505, %dma_wait3A_655] : memref<2x256xi32, #tpu.memory_space<vmem>> -> memref<1x256xi32, #tpu.memory_space<vmem>>
          %dma_wait3A_657 = tpu.memref_squeeze %dma_wait3A_656 : memref<1x256xi32, #tpu.memory_space<vmem>> -> memref<256xi32, #tpu.memory_space<vmem>>
          %dma_wait3A_658 = tpu.memref_slice %arg2[%add3A_504] : memref<819200xi32, #tpu.memory_space<hbm>> -> memref<256xi32, #tpu.memory_space<hbm>>
          %dma_wait3A_659 = arith.constant 0 : i32
          %dma_wait3A_660 = tpu.memref_slice %arg7[%run_scoped3A_505, %dma_wait3A_659] : memref<2x256xi32, #tpu.memory_space<vmem>> -> memref<1x256xi32, #tpu.memory_space<vmem>>
          %dma_wait3A_661 = tpu.memref_squeeze %dma_wait3A_660 : memref<1x256xi32, #tpu.memory_space<vmem>> -> memref<256xi32, #tpu.memory_space<vmem>>
          %dma_wait3A_662 = tpu.memref_slice %arg2[%add3A_504] : memref<819200xi32, #tpu.memory_space<hbm>> -> memref<256xi32, #tpu.memory_space<hbm>>
          tpu.wait_dma2 semaphore(%run_scoped3A_646 : memref<!tpu.dma_semaphore, #tpu.memory_space<semaphore_mem>>) src(%dma_wait3A_662 : memref<256xi32, #tpu.memory_space<hbm>>) dst(%dma_wait3A_661 : memref<256xi32, #tpu.memory_space<vmem>>)
          tpu.yield
        }) : () -> ()
        %broadcast_in_dim3A_506 = arith.constant 0 : i32
        %broadcast_in_dim3A_507 = vector.broadcast %broadcast_in_dim3A_506 : i32 to vector<16xi32>
        %swap3A_508 = arith.constant 1 : i32
        %swap3A_509 = arith.index_cast %swap3A_508 : i32 to index
        %swap3A_510 = arith.constant 0 : index
        %swap3A_511 = tpu.vector_load %arg10[%swap3A_509, %swap3A_510] {strides = array<i32>} : memref<2x16xi32, #tpu.memory_space<vmem>>, vector<16xi32>,
        tpu.vector_store %arg10[%swap3A_509, %swap3A_510], %broadcast_in_dim3A_507 {strides = array<i32>} : memref<2x16xi32, #tpu.memory_space<vmem>>, vector<16xi32>,
        %scan3A_512 = arith.constant 0 : i32
        %scan3A_513 = arith.constant 0 : i32
        %scan3A_514 = arith.constant 16 : i32
        %scan3A_515 = arith.addi %scan3A_513, %scan3A_514 : i32
        %scan3A_516 = arith.constant 1 : i32
        scf.for %scan3A_646 = %scan3A_513 to %scan3A_515 step %scan3A_516  : i32 {
          %mul3A_647 = arith.constant 16 : i32
          %mul3A_648 = arith.muli %scan3A_646, %mul3A_647 : i32
          %get3A_649 = arith.constant 1 : i32
          %get3A_650 = arith.index_cast %get3A_649 : i32 to index
          %get3A_651 = arith.index_cast %mul3A_648 : i32 to index
          %get3A_652 = tpu.vector_load %arg7[%get3A_650, %get3A_651] {strides = array<i32>} : memref<2x256xi32, #tpu.memory_space<vmem>>, vector<16xi32>,
          %ge3A_653 = arith.constant 1000000 : i32
          %ge3A_654 = vector.broadcast %ge3A_653 : i32 to vector<16xi32>
          %ge3A_655 = arith.cmpi sge, %get3A_652, %ge3A_654 : vector<16xi32>
          %jit3A = arith.constant 0 : i32
          %broadcast_in_dim3A_656 = vector.broadcast %jit3A : i32 to vector<16xi32>
          %select_n3A = arith.select %ge3A_655, %broadcast_in_dim3A_656, %get3A_652 : vector<16xi1>, vector<16xi32>
          %jit3A_657 = arith.constant 2 : i32
          %div3A = arith.divsi %scan3A_646, %jit3A_657 : i32
          %sign3A = arith.constant 0 : i32
          %sign3A_658 = arith.cmpi sgt, %scan3A_646, %sign3A : i32
          %sign3A_659 = arith.extui %sign3A_658 : i1 to i32
          %sign3A_660 = arith.constant 0 : i32
          %sign3A_661 = arith.cmpi slt, %scan3A_646, %sign3A_660 : i32
          %sign3A_662 = arith.extui %sign3A_661 : i1 to i32
          %sign3A_663 = arith.subi %sign3A_659, %sign3A_662 : i32
          %sign3A_664 = arith.constant 0 : i32
          %sign3A_665 = arith.cmpi sgt, %jit3A_657, %sign3A_664 : i32
          %sign3A_666 = arith.extui %sign3A_665 : i1 to i32
          %sign3A_667 = arith.constant 0 : i32
          %sign3A_668 = arith.cmpi slt, %jit3A_657, %sign3A_667 : i32
          %sign3A_669 = arith.extui %sign3A_668 : i1 to i32
          %sign3A_670 = arith.subi %sign3A_666, %sign3A_669 : i32
          %ne3A = arith.cmpi ne, %sign3A_663, %sign3A_670 : i32
          %rem3A = arith.remsi %scan3A_646, %jit3A_657 : i32
          %ne3A_671 = arith.constant 0 : i32
          %ne3A_672 = arith.cmpi ne, %rem3A, %ne3A_671 : i32
          %and3A = arith.andi %ne3A, %ne3A_672 : i1
          %sub3A = arith.constant 1 : i32
          %sub3A_673 = arith.subi %div3A, %sub3A : i32
          %select_n3A_674 = arith.select %and3A, %sub3A_673, %div3A : i32
          %jit3A_675 = arith.constant 2 : i32
          %eq3A = arith.constant 0 : i32
          %eq3A_676 = arith.cmpi eq, %jit3A_675, %eq3A : i32
          %jit3A_677 = arith.constant 1 : i32
          %select_n3A_678 = arith.select %eq3A_676, %jit3A_677, %jit3A_675 : i32
          %rem3A_679 = arith.remsi %scan3A_646, %select_n3A_678 : i32
          %ne3A_680 = arith.constant 0 : i32
          %ne3A_681 = arith.cmpi ne, %rem3A_679, %ne3A_680 : i32
          %lt3A_682 = arith.constant 0 : i32
          %lt3A_683 = arith.cmpi slt, %rem3A_679, %lt3A_682 : i32
          %lt3A_684 = arith.constant 0 : i32
          %lt3A_685 = arith.cmpi slt, %select_n3A_678, %lt3A_684 : i32
          %ne3A_686 = arith.xori %lt3A_683, %lt3A_685 : i1
          %and3A_687 = arith.andi %ne3A_686, %ne3A_681 : i1
          %add3A_688 = arith.addi %rem3A_679, %select_n3A_678 : i32
          %select_n3A_689 = arith.select %and3A_687, %add3A_688, %rem3A_679 : i32
          %mul3A_690 = arith.constant 16 : i32
          %mul3A_691 = arith.muli %select_n3A_689, %mul3A_690 : i32
          %swap3A_692 = arith.constant 1 : i32
          %swap3A_693 = arith.index_cast %swap3A_692 : i32 to index
          %swap3A_694 = arith.index_cast %select_n3A_674 : i32 to index
          %swap3A_695 = arith.index_cast %mul3A_691 : i32 to index
          %swap3A_696 = tpu.vector_load %arg8[%swap3A_693, %swap3A_694, %swap3A_695] {strides = array<i32>} : memref<2x8x32xi32, #tpu.memory_space<vmem>>, vector<16xi32>,
          tpu.vector_store %arg8[%swap3A_693, %swap3A_694, %swap3A_695], %select_n3A {strides = array<i32>} : memref<2x8x32xi32, #tpu.memory_space<vmem>>, vector<16xi32>,
          %broadcast_in_dim3A_697 = arith.constant 0 : i32
          %broadcast_in_dim3A_698 = vector.broadcast %broadcast_in_dim3A_697 : i32 to vector<16xi32>
          %broadcast_in_dim3A_699 = arith.constant 1 : i32
          %broadcast_in_dim3A_700 = vector.broadcast %broadcast_in_dim3A_699 : i32 to vector<16xi32>
          %scatter3A = arith.constant 1 : i32
          %scatter3A_701 = arith.constant 0 : i32
          %scatter3A_702 = tpu.memref_slice %arg10[%scatter3A, %scatter3A_701] : memref<2x16xi32, #tpu.memory_space<vmem>> -> memref<1x16xi32, #tpu.memory_space<vmem>>
          %scatter3A_703 = tpu.memref_squeeze %scatter3A_702 : memref<1x16xi32, #tpu.memory_space<vmem>> -> memref<16xi32, #tpu.memory_space<vmem>>
          tpu.vector_store_idx %scatter3A_703[%broadcast_in_dim3A_698], %broadcast_in_dim3A_700 masked %ge3A_655 : memref<16xi32, #tpu.memory_space<vmem>>[vector<16xi32>], vector<16xi32>, vector<16xi1>
        }
        %scan3A_517 = arith.constant 16 : i32
        %dma_start3A_518 = arith.constant 1 : i32
        %dma_start3A_519 = arith.constant 0 : i32
        %dma_start3A_520 = arith.constant 1 : i32
        %dma_start3A_521 = arith.constant 0 : i32
        %dma_start3A_522 = arith.constant 0 : i32
        %dma_start3A_523 = tpu.memref_slice %arg9[%dma_start3A_520, %dma_start3A_521, %dma_start3A_522] : memref<2x256x64xf32, #tpu.memory_space<vmem>> -> memref<1x256x64xf32, #tpu.memory_space<vmem>>
        %dma_start3A_524 = tpu.memref_squeeze %dma_start3A_523 : memref<1x256x64xf32, #tpu.memory_space<vmem>> -> memref<256x64xf32, #tpu.memory_space<vmem>>
        %dma_start3A_525 = arith.constant 0 : i32
        %dma_start3A_526 = arith.constant 0 : i32
        %dma_start3A_527 = tpu.memref_slice %dma_start3A_524[%dma_start3A_525, %dma_start3A_526] : memref<256x64xf32, #tpu.memory_space<vmem>> -> memref<32x64xf32, #tpu.memory_space<vmem>>
        %dma_start3A_528 = arith.constant 0 : i32
        %dma_start3A_529 = tpu.memref_slice %arg8[%dma_start3A_518, %dma_start3A_519, %dma_start3A_528] : memref<2x8x32xi32, #tpu.memory_space<vmem>> -> memref<1x1x32xi32, #tpu.memory_space<vmem>>
        %dma_start3A_530 = tpu.memref_squeeze %dma_start3A_529 : memref<1x1x32xi32, #tpu.memory_space<vmem>> -> memref<32xi32, #tpu.memory_space<vmem>>
        %dma_start3A_531 = arith.constant 0 : i32
        %dma_start3A_532 = arith.constant 0 : i32
        %dma_start3A_533 = tpu.memref_slice %arg3[%dma_start3A_531, %dma_start3A_532] : memref<1000000x64xf32, #tpu.memory_space<hbm>> -> memref<1000000x64xf32, #tpu.memory_space<hbm>>
        tpu.enqueue_indirect_dma source(%dma_start3A_533 : memref<1000000x64xf32, #tpu.memory_space<hbm>>) target(%dma_start3A_527 : memref<32x64xf32, #tpu.memory_space<vmem>>) offsets(%dma_start3A_530 : memref<32xi32, #tpu.memory_space<vmem>>) semaphore(%arg12 : memref<!tpu.dma_semaphore, #tpu.memory_space<semaphore_mem>>)
        %dma_start3A_534 = arith.constant 1 : i32
        %dma_start3A_535 = arith.constant 1 : i32
        %dma_start3A_536 = arith.constant 1 : i32
        %dma_start3A_537 = arith.constant 0 : i32
        %dma_start3A_538 = arith.constant 0 : i32
        %dma_start3A_539 = tpu.memref_slice %arg9[%dma_start3A_536, %dma_start3A_537, %dma_start3A_538] : memref<2x256x64xf32, #tpu.memory_space<vmem>> -> memref<1x256x64xf32, #tpu.memory_space<vmem>>
        %dma_start3A_540 = tpu.memref_squeeze %dma_start3A_539 : memref<1x256x64xf32, #tpu.memory_space<vmem>> -> memref<256x64xf32, #tpu.memory_space<vmem>>
        %dma_start3A_541 = arith.constant 32 : i32
        %dma_start3A_542 = arith.constant 0 : i32
        %dma_start3A_543 = tpu.memref_slice %dma_start3A_540[%dma_start3A_541, %dma_start3A_542] : memref<256x64xf32, #tpu.memory_space<vmem>> -> memref<32x64xf32, #tpu.memory_space<vmem>>
        %dma_start3A_544 = arith.constant 0 : i32
        %dma_start3A_545 = tpu.memref_slice %arg8[%dma_start3A_534, %dma_start3A_535, %dma_start3A_544] : memref<2x8x32xi32, #tpu.memory_space<vmem>> -> memref<1x1x32xi32, #tpu.memory_space<vmem>>
        %dma_start3A_546 = tpu.memref_squeeze %dma_start3A_545 : memref<1x1x32xi32, #tpu.memory_space<vmem>> -> memref<32xi32, #tpu.memory_space<vmem>>
        %dma_start3A_547 = arith.constant 0 : i32
        %dma_start3A_548 = arith.constant 0 : i32
        %dma_start3A_549 = tpu.memref_slice %arg3[%dma_start3A_547, %dma_start3A_548] : memref<1000000x64xf32, #tpu.memory_space<hbm>> -> memref<1000000x64xf32, #tpu.memory_space<hbm>>
        tpu.enqueue_indirect_dma source(%dma_start3A_549 : memref<1000000x64xf32, #tpu.memory_space<hbm>>) target(%dma_start3A_543 : memref<32x64xf32, #tpu.memory_space<vmem>>) offsets(%dma_start3A_546 : memref<32xi32, #tpu.memory_space<vmem>>) semaphore(%arg12 : memref<!tpu.dma_semaphore, #tpu.memory_space<semaphore_mem>>)
        %dma_start3A_550 = arith.constant 1 : i32
        %dma_start3A_551 = arith.constant 2 : i32
        %dma_start3A_552 = arith.constant 1 : i32
        %dma_start3A_553 = arith.constant 0 : i32
        %dma_start3A_554 = arith.constant 0 : i32
        %dma_start3A_555 = tpu.memref_slice %arg9[%dma_start3A_552, %dma_start3A_553, %dma_start3A_554] : memref<2x256x64xf32, #tpu.memory_space<vmem>> -> memref<1x256x64xf32, #tpu.memory_space<vmem>>
        %dma_start3A_556 = tpu.memref_squeeze %dma_start3A_555 : memref<1x256x64xf32, #tpu.memory_space<vmem>> -> memref<256x64xf32, #tpu.memory_space<vmem>>
        %dma_start3A_557 = arith.constant 64 : i32
        %dma_start3A_558 = arith.constant 0 : i32
        %dma_start3A_559 = tpu.memref_slice %dma_start3A_556[%dma_start3A_557, %dma_start3A_558] : memref<256x64xf32, #tpu.memory_space<vmem>> -> memref<32x64xf32, #tpu.memory_space<vmem>>
        %dma_start3A_560 = arith.constant 0 : i32
        %dma_start3A_561 = tpu.memref_slice %arg8[%dma_start3A_550, %dma_start3A_551, %dma_start3A_560] : memref<2x8x32xi32, #tpu.memory_space<vmem>> -> memref<1x1x32xi32, #tpu.memory_space<vmem>>
        %dma_start3A_562 = tpu.memref_squeeze %dma_start3A_561 : memref<1x1x32xi32, #tpu.memory_space<vmem>> -> memref<32xi32, #tpu.memory_space<vmem>>
        %dma_start3A_563 = arith.constant 0 : i32
        %dma_start3A_564 = arith.constant 0 : i32
        %dma_start3A_565 = tpu.memref_slice %arg3[%dma_start3A_563, %dma_start3A_564] : memref<1000000x64xf32, #tpu.memory_space<hbm>> -> memref<1000000x64xf32, #tpu.memory_space<hbm>>
        tpu.enqueue_indirect_dma source(%dma_start3A_565 : memref<1000000x64xf32, #tpu.memory_space<hbm>>) target(%dma_start3A_559 : memref<32x64xf32, #tpu.memory_space<vmem>>) offsets(%dma_start3A_562 : memref<32xi32, #tpu.memory_space<vmem>>) semaphore(%arg12 : memref<!tpu.dma_semaphore, #tpu.memory_space<semaphore_mem>>)
        %dma_start3A_566 = arith.constant 1 : i32
        %dma_start3A_567 = arith.constant 3 : i32
        %dma_start3A_568 = arith.constant 1 : i32
        %dma_start3A_569 = arith.constant 0 : i32
        %dma_start3A_570 = arith.constant 0 : i32
        %dma_start3A_571 = tpu.memref_slice %arg9[%dma_start3A_568, %dma_start3A_569, %dma_start3A_570] : memref<2x256x64xf32, #tpu.memory_space<vmem>> -> memref<1x256x64xf32, #tpu.memory_space<vmem>>
        %dma_start3A_572 = tpu.memref_squeeze %dma_start3A_571 : memref<1x256x64xf32, #tpu.memory_space<vmem>> -> memref<256x64xf32, #tpu.memory_space<vmem>>
        %dma_start3A_573 = arith.constant 96 : i32
        %dma_start3A_574 = arith.constant 0 : i32
        %dma_start3A_575 = tpu.memref_slice %dma_start3A_572[%dma_start3A_573, %dma_start3A_574] : memref<256x64xf32, #tpu.memory_space<vmem>> -> memref<32x64xf32, #tpu.memory_space<vmem>>
        %dma_start3A_576 = arith.constant 0 : i32
        %dma_start3A_577 = tpu.memref_slice %arg8[%dma_start3A_566, %dma_start3A_567, %dma_start3A_576] : memref<2x8x32xi32, #tpu.memory_space<vmem>> -> memref<1x1x32xi32, #tpu.memory_space<vmem>>
        %dma_start3A_578 = tpu.memref_squeeze %dma_start3A_577 : memref<1x1x32xi32, #tpu.memory_space<vmem>> -> memref<32xi32, #tpu.memory_space<vmem>>
        %dma_start3A_579 = arith.constant 0 : i32
        %dma_start3A_580 = arith.constant 0 : i32
        %dma_start3A_581 = tpu.memref_slice %arg3[%dma_start3A_579, %dma_start3A_580] : memref<1000000x64xf32, #tpu.memory_space<hbm>> -> memref<1000000x64xf32, #tpu.memory_space<hbm>>
        tpu.enqueue_indirect_dma source(%dma_start3A_581 : memref<1000000x64xf32, #tpu.memory_space<hbm>>) target(%dma_start3A_575 : memref<32x64xf32, #tpu.memory_space<vmem>>) offsets(%dma_start3A_578 : memref<32xi32, #tpu.memory_space<vmem>>) semaphore(%arg12 : memref<!tpu.dma_semaphore, #tpu.memory_space<semaphore_mem>>)
        %dma_start3A_582 = arith.constant 1 : i32
        %dma_start3A_583 = arith.constant 4 : i32
        %dma_start3A_584 = arith.constant 1 : i32
        %dma_start3A_585 = arith.constant 0 : i32
        %dma_start3A_586 = arith.constant 0 : i32
        %dma_start3A_587 = tpu.memref_slice %arg9[%dma_start3A_584, %dma_start3A_585, %dma_start3A_586] : memref<2x256x64xf32, #tpu.memory_space<vmem>> -> memref<1x256x64xf32, #tpu.memory_space<vmem>>
        %dma_start3A_588 = tpu.memref_squeeze %dma_start3A_587 : memref<1x256x64xf32, #tpu.memory_space<vmem>> -> memref<256x64xf32, #tpu.memory_space<vmem>>
        %dma_start3A_589 = arith.constant 128 : i32
        %dma_start3A_590 = arith.constant 0 : i32
        %dma_start3A_591 = tpu.memref_slice %dma_start3A_588[%dma_start3A_589, %dma_start3A_590] : memref<256x64xf32, #tpu.memory_space<vmem>> -> memref<32x64xf32, #tpu.memory_space<vmem>>
        %dma_start3A_592 = arith.constant 0 : i32
        %dma_start3A_593 = tpu.memref_slice %arg8[%dma_start3A_582, %dma_start3A_583, %dma_start3A_592] : memref<2x8x32xi32, #tpu.memory_space<vmem>> -> memref<1x1x32xi32, #tpu.memory_space<vmem>>
        %dma_start3A_594 = tpu.memref_squeeze %dma_start3A_593 : memref<1x1x32xi32, #tpu.memory_space<vmem>> -> memref<32xi32, #tpu.memory_space<vmem>>
        %dma_start3A_595 = arith.constant 0 : i32
        %dma_start3A_596 = arith.constant 0 : i32
        %dma_start3A_597 = tpu.memref_slice %arg3[%dma_start3A_595, %dma_start3A_596] : memref<1000000x64xf32, #tpu.memory_space<hbm>> -> memref<1000000x64xf32, #tpu.memory_space<hbm>>
        tpu.enqueue_indirect_dma source(%dma_start3A_597 : memref<1000000x64xf32, #tpu.memory_space<hbm>>) target(%dma_start3A_591 : memref<32x64xf32, #tpu.memory_space<vmem>>) offsets(%dma_start3A_594 : memref<32xi32, #tpu.memory_space<vmem>>) semaphore(%arg12 : memref<!tpu.dma_semaphore, #tpu.memory_space<semaphore_mem>>)
        %dma_start3A_598 = arith.constant 1 : i32
        %dma_start3A_599 = arith.constant 5 : i32
        %dma_start3A_600 = arith.constant 1 : i32
        %dma_start3A_601 = arith.constant 0 : i32
        %dma_start3A_602 = arith.constant 0 : i32
        %dma_start3A_603 = tpu.memref_slice %arg9[%dma_start3A_600, %dma_start3A_601, %dma_start3A_602] : memref<2x256x64xf32, #tpu.memory_space<vmem>> -> memref<1x256x64xf32, #tpu.memory_space<vmem>>
        %dma_start3A_604 = tpu.memref_squeeze %dma_start3A_603 : memref<1x256x64xf32, #tpu.memory_space<vmem>> -> memref<256x64xf32, #tpu.memory_space<vmem>>
        %dma_start3A_605 = arith.constant 160 : i32
        %dma_start3A_606 = arith.constant 0 : i32
        %dma_start3A_607 = tpu.memref_slice %dma_start3A_604[%dma_start3A_605, %dma_start3A_606] : memref<256x64xf32, #tpu.memory_space<vmem>> -> memref<32x64xf32, #tpu.memory_space<vmem>>
        %dma_start3A_608 = arith.constant 0 : i32
        %dma_start3A_609 = tpu.memref_slice %arg8[%dma_start3A_598, %dma_start3A_599, %dma_start3A_608] : memref<2x8x32xi32, #tpu.memory_space<vmem>> -> memref<1x1x32xi32, #tpu.memory_space<vmem>>
        %dma_start3A_610 = tpu.memref_squeeze %dma_start3A_609 : memref<1x1x32xi32, #tpu.memory_space<vmem>> -> memref<32xi32, #tpu.memory_space<vmem>>
        %dma_start3A_611 = arith.constant 0 : i32
        %dma_start3A_612 = arith.constant 0 : i32
        %dma_start3A_613 = tpu.memref_slice %arg3[%dma_start3A_611, %dma_start3A_612] : memref<1000000x64xf32, #tpu.memory_space<hbm>> -> memref<1000000x64xf32, #tpu.memory_space<hbm>>
        tpu.enqueue_indirect_dma source(%dma_start3A_613 : memref<1000000x64xf32, #tpu.memory_space<hbm>>) target(%dma_start3A_607 : memref<32x64xf32, #tpu.memory_space<vmem>>) offsets(%dma_start3A_610 : memref<32xi32, #tpu.memory_space<vmem>>) semaphore(%arg12 : memref<!tpu.dma_semaphore, #tpu.memory_space<semaphore_mem>>)
        %dma_start3A_614 = arith.constant 1 : i32
        %dma_start3A_615 = arith.constant 6 : i32
        %dma_start3A_616 = arith.constant 1 : i32
        %dma_start3A_617 = arith.constant 0 : i32
        %dma_start3A_618 = arith.constant 0 : i32
        %dma_start3A_619 = tpu.memref_slice %arg9[%dma_start3A_616, %dma_start3A_617, %dma_start3A_618] : memref<2x256x64xf32, #tpu.memory_space<vmem>> -> memref<1x256x64xf32, #tpu.memory_space<vmem>>
        %dma_start3A_620 = tpu.memref_squeeze %dma_start3A_619 : memref<1x256x64xf32, #tpu.memory_space<vmem>> -> memref<256x64xf32, #tpu.memory_space<vmem>>
        %dma_start3A_621 = arith.constant 192 : i32
        %dma_start3A_622 = arith.constant 0 : i32
        %dma_start3A_623 = tpu.memref_slice %dma_start3A_620[%dma_start3A_621, %dma_start3A_622] : memref<256x64xf32, #tpu.memory_space<vmem>> -> memref<32x64xf32, #tpu.memory_space<vmem>>
        %dma_start3A_624 = arith.constant 0 : i32
        %dma_start3A_625 = tpu.memref_slice %arg8[%dma_start3A_614, %dma_start3A_615, %dma_start3A_624] : memref<2x8x32xi32, #tpu.memory_space<vmem>> -> memref<1x1x32xi32, #tpu.memory_space<vmem>>
        %dma_start3A_626 = tpu.memref_squeeze %dma_start3A_625 : memref<1x1x32xi32, #tpu.memory_space<vmem>> -> memref<32xi32, #tpu.memory_space<vmem>>
        %dma_start3A_627 = arith.constant 0 : i32
        %dma_start3A_628 = arith.constant 0 : i32
        %dma_start3A_629 = tpu.memref_slice %arg3[%dma_start3A_627, %dma_start3A_628] : memref<1000000x64xf32, #tpu.memory_space<hbm>> -> memref<1000000x64xf32, #tpu.memory_space<hbm>>
        tpu.enqueue_indirect_dma source(%dma_start3A_629 : memref<1000000x64xf32, #tpu.memory_space<hbm>>) target(%dma_start3A_623 : memref<32x64xf32, #tpu.memory_space<vmem>>) offsets(%dma_start3A_626 : memref<32xi32, #tpu.memory_space<vmem>>) semaphore(%arg12 : memref<!tpu.dma_semaphore, #tpu.memory_space<semaphore_mem>>)
        %dma_start3A_630 = arith.constant 1 : i32
        %dma_start3A_631 = arith.constant 7 : i32
        %dma_start3A_632 = arith.constant 1 : i32
        %dma_start3A_633 = arith.constant 0 : i32
        %dma_start3A_634 = arith.constant 0 : i32
        %dma_start3A_635 = tpu.memref_slice %arg9[%dma_start3A_632, %dma_start3A_633, %dma_start3A_634] : memref<2x256x64xf32, #tpu.memory_space<vmem>> -> memref<1x256x64xf32, #tpu.memory_space<vmem>>
        %dma_start3A_636 = tpu.memref_squeeze %dma_start3A_635 : memref<1x256x64xf32, #tpu.memory_space<vmem>> -> memref<256x64xf32, #tpu.memory_space<vmem>>
        %dma_start3A_637 = arith.constant 224 : i32
        %dma_start3A_638 = arith.constant 0 : i32
        %dma_start3A_639 = tpu.memref_slice %dma_start3A_636[%dma_start3A_637, %dma_start3A_638] : memref<256x64xf32, #tpu.memory_space<vmem>> -> memref<32x64xf32, #tpu.memory_space<vmem>>
        %dma_start3A_640 = arith.constant 0 : i32
        %dma_start3A_641 = tpu.memref_slice %arg8[%dma_start3A_630, %dma_start3A_631, %dma_start3A_640] : memref<2x8x32xi32, #tpu.memory_space<vmem>> -> memref<1x1x32xi32, #tpu.memory_space<vmem>>
        %dma_start3A_642 = tpu.memref_squeeze %dma_start3A_641 : memref<1x1x32xi32, #tpu.memory_space<vmem>> -> memref<32xi32, #tpu.memory_space<vmem>>
        %dma_start3A_643 = arith.constant 0 : i32
        %dma_start3A_644 = arith.constant 0 : i32
        %dma_start3A_645 = tpu.memref_slice %arg3[%dma_start3A_643, %dma_start3A_644] : memref<1000000x64xf32, #tpu.memory_space<hbm>> -> memref<1000000x64xf32, #tpu.memory_space<hbm>>
        tpu.enqueue_indirect_dma source(%dma_start3A_645 : memref<1000000x64xf32, #tpu.memory_space<hbm>>) target(%dma_start3A_639 : memref<32x64xf32, #tpu.memory_space<vmem>>) offsets(%dma_start3A_642 : memref<32xi32, #tpu.memory_space<vmem>>) semaphore(%arg12 : memref<!tpu.dma_semaphore, #tpu.memory_space<semaphore_mem>>)
      } else {
      }
      %dma_wait3A_181 = arith.constant 0 : i32
      %dma_wait3A_182 = arith.constant 0 : i32
      %dma_wait3A_183 = arith.constant 0 : i32
      %dma_wait3A_184 = arith.constant 0 : i32
      %dma_wait3A_185 = arith.constant 0 : i32
      %dma_wait3A_186 = tpu.memref_slice %arg9[%dma_wait3A_183, %dma_wait3A_184, %dma_wait3A_185] : memref<2x256x64xf32, #tpu.memory_space<vmem>> -> memref<1x256x64xf32, #tpu.memory_space<vmem>>
      %dma_wait3A_187 = tpu.memref_squeeze %dma_wait3A_186 : memref<1x256x64xf32, #tpu.memory_space<vmem>> -> memref<256x64xf32, #tpu.memory_space<vmem>>
      %dma_wait3A_188 = arith.constant 0 : i32
      %dma_wait3A_189 = arith.constant 0 : i32
      %dma_wait3A_190 = tpu.memref_slice %dma_wait3A_187[%dma_wait3A_188, %dma_wait3A_189] : memref<256x64xf32, #tpu.memory_space<vmem>> -> memref<32x64xf32, #tpu.memory_space<vmem>>
      %dma_wait3A_191 = arith.constant 0 : i32
      %dma_wait3A_192 = tpu.memref_slice %arg8[%dma_wait3A_181, %dma_wait3A_182, %dma_wait3A_191] : memref<2x8x32xi32, #tpu.memory_space<vmem>> -> memref<1x1x32xi32, #tpu.memory_space<vmem>>
      %dma_wait3A_193 = tpu.memref_squeeze %dma_wait3A_192 : memref<1x1x32xi32, #tpu.memory_space<vmem>> -> memref<32xi32, #tpu.memory_space<vmem>>
      %dma_wait3A_194 = arith.constant 0 : i32
      %dma_wait3A_195 = arith.constant 0 : i32
      %dma_wait3A_196 = tpu.memref_slice %arg3[%dma_wait3A_194, %dma_wait3A_195] : memref<1000000x64xf32, #tpu.memory_space<hbm>> -> memref<1000000x64xf32, #tpu.memory_space<hbm>>
      tpu.wait_indirect_dma semaphore(%arg11 : memref<!tpu.dma_semaphore, #tpu.memory_space<semaphore_mem>>) src(%dma_wait3A_196 : memref<1000000x64xf32, #tpu.memory_space<hbm>>) dst(%dma_wait3A_190 : memref<32x64xf32, #tpu.memory_space<vmem>>)
      %dma_wait3A_197 = arith.constant 0 : i32
      %dma_wait3A_198 = arith.constant 1 : i32
      %dma_wait3A_199 = arith.constant 0 : i32
      %dma_wait3A_200 = arith.constant 0 : i32
      %dma_wait3A_201 = arith.constant 0 : i32
      %dma_wait3A_202 = tpu.memref_slice %arg9[%dma_wait3A_199, %dma_wait3A_200, %dma_wait3A_201] : memref<2x256x64xf32, #tpu.memory_space<vmem>> -> memref<1x256x64xf32, #tpu.memory_space<vmem>>
      %dma_wait3A_203 = tpu.memref_squeeze %dma_wait3A_202 : memref<1x256x64xf32, #tpu.memory_space<vmem>> -> memref<256x64xf32, #tpu.memory_space<vmem>>
      %dma_wait3A_204 = arith.constant 32 : i32
      %dma_wait3A_205 = arith.constant 0 : i32
      %dma_wait3A_206 = tpu.memref_slice %dma_wait3A_203[%dma_wait3A_204, %dma_wait3A_205] : memref<256x64xf32, #tpu.memory_space<vmem>> -> memref<32x64xf32, #tpu.memory_space<vmem>>
      %dma_wait3A_207 = arith.constant 0 : i32
      %dma_wait3A_208 = tpu.memref_slice %arg8[%dma_wait3A_197, %dma_wait3A_198, %dma_wait3A_207] : memref<2x8x32xi32, #tpu.memory_space<vmem>> -> memref<1x1x32xi32, #tpu.memory_space<vmem>>
      %dma_wait3A_209 = tpu.memref_squeeze %dma_wait3A_208 : memref<1x1x32xi32, #tpu.memory_space<vmem>> -> memref<32xi32, #tpu.memory_space<vmem>>
      %dma_wait3A_210 = arith.constant 0 : i32
      %dma_wait3A_211 = arith.constant 0 : i32
      %dma_wait3A_212 = tpu.memref_slice %arg3[%dma_wait3A_210, %dma_wait3A_211] : memref<1000000x64xf32, #tpu.memory_space<hbm>> -> memref<1000000x64xf32, #tpu.memory_space<hbm>>
      tpu.wait_indirect_dma semaphore(%arg11 : memref<!tpu.dma_semaphore, #tpu.memory_space<semaphore_mem>>) src(%dma_wait3A_212 : memref<1000000x64xf32, #tpu.memory_space<hbm>>) dst(%dma_wait3A_206 : memref<32x64xf32, #tpu.memory_space<vmem>>)
      %dma_wait3A_213 = arith.constant 0 : i32
      %dma_wait3A_214 = arith.constant 2 : i32
      %dma_wait3A_215 = arith.constant 0 : i32
      %dma_wait3A_216 = arith.constant 0 : i32
      %dma_wait3A_217 = arith.constant 0 : i32
      %dma_wait3A_218 = tpu.memref_slice %arg9[%dma_wait3A_215, %dma_wait3A_216, %dma_wait3A_217] : memref<2x256x64xf32, #tpu.memory_space<vmem>> -> memref<1x256x64xf32, #tpu.memory_space<vmem>>
      %dma_wait3A_219 = tpu.memref_squeeze %dma_wait3A_218 : memref<1x256x64xf32, #tpu.memory_space<vmem>> -> memref<256x64xf32, #tpu.memory_space<vmem>>
      %dma_wait3A_220 = arith.constant 64 : i32
      %dma_wait3A_221 = arith.constant 0 : i32
      %dma_wait3A_222 = tpu.memref_slice %dma_wait3A_219[%dma_wait3A_220, %dma_wait3A_221] : memref<256x64xf32, #tpu.memory_space<vmem>> -> memref<32x64xf32, #tpu.memory_space<vmem>>
      %dma_wait3A_223 = arith.constant 0 : i32
      %dma_wait3A_224 = tpu.memref_slice %arg8[%dma_wait3A_213, %dma_wait3A_214, %dma_wait3A_223] : memref<2x8x32xi32, #tpu.memory_space<vmem>> -> memref<1x1x32xi32, #tpu.memory_space<vmem>>
      %dma_wait3A_225 = tpu.memref_squeeze %dma_wait3A_224 : memref<1x1x32xi32, #tpu.memory_space<vmem>> -> memref<32xi32, #tpu.memory_space<vmem>>
      %dma_wait3A_226 = arith.constant 0 : i32
      %dma_wait3A_227 = arith.constant 0 : i32
      %dma_wait3A_228 = tpu.memref_slice %arg3[%dma_wait3A_226, %dma_wait3A_227] : memref<1000000x64xf32, #tpu.memory_space<hbm>> -> memref<1000000x64xf32, #tpu.memory_space<hbm>>
      tpu.wait_indirect_dma semaphore(%arg11 : memref<!tpu.dma_semaphore, #tpu.memory_space<semaphore_mem>>) src(%dma_wait3A_228 : memref<1000000x64xf32, #tpu.memory_space<hbm>>) dst(%dma_wait3A_222 : memref<32x64xf32, #tpu.memory_space<vmem>>)
      %dma_wait3A_229 = arith.constant 0 : i32
      %dma_wait3A_230 = arith.constant 3 : i32
      %dma_wait3A_231 = arith.constant 0 : i32
      %dma_wait3A_232 = arith.constant 0 : i32
      %dma_wait3A_233 = arith.constant 0 : i32
      %dma_wait3A_234 = tpu.memref_slice %arg9[%dma_wait3A_231, %dma_wait3A_232, %dma_wait3A_233] : memref<2x256x64xf32, #tpu.memory_space<vmem>> -> memref<1x256x64xf32, #tpu.memory_space<vmem>>
      %dma_wait3A_235 = tpu.memref_squeeze %dma_wait3A_234 : memref<1x256x64xf32, #tpu.memory_space<vmem>> -> memref<256x64xf32, #tpu.memory_space<vmem>>
      %dma_wait3A_236 = arith.constant 96 : i32
      %dma_wait3A_237 = arith.constant 0 : i32
      %dma_wait3A_238 = tpu.memref_slice %dma_wait3A_235[%dma_wait3A_236, %dma_wait3A_237] : memref<256x64xf32, #tpu.memory_space<vmem>> -> memref<32x64xf32, #tpu.memory_space<vmem>>
      %dma_wait3A_239 = arith.constant 0 : i32
      %dma_wait3A_240 = tpu.memref_slice %arg8[%dma_wait3A_229, %dma_wait3A_230, %dma_wait3A_239] : memref<2x8x32xi32, #tpu.memory_space<vmem>> -> memref<1x1x32xi32, #tpu.memory_space<vmem>>
      %dma_wait3A_241 = tpu.memref_squeeze %dma_wait3A_240 : memref<1x1x32xi32, #tpu.memory_space<vmem>> -> memref<32xi32, #tpu.memory_space<vmem>>
      %dma_wait3A_242 = arith.constant 0 : i32
      %dma_wait3A_243 = arith.constant 0 : i32
      %dma_wait3A_244 = tpu.memref_slice %arg3[%dma_wait3A_242, %dma_wait3A_243] : memref<1000000x64xf32, #tpu.memory_space<hbm>> -> memref<1000000x64xf32, #tpu.memory_space<hbm>>
      tpu.wait_indirect_dma semaphore(%arg11 : memref<!tpu.dma_semaphore, #tpu.memory_space<semaphore_mem>>) src(%dma_wait3A_244 : memref<1000000x64xf32, #tpu.memory_space<hbm>>) dst(%dma_wait3A_238 : memref<32x64xf32, #tpu.memory_space<vmem>>)
      %dma_wait3A_245 = arith.constant 0 : i32
      %dma_wait3A_246 = arith.constant 4 : i32
      %dma_wait3A_247 = arith.constant 0 : i32
      %dma_wait3A_248 = arith.constant 0 : i32
      %dma_wait3A_249 = arith.constant 0 : i32
      %dma_wait3A_250 = tpu.memref_slice %arg9[%dma_wait3A_247, %dma_wait3A_248, %dma_wait3A_249] : memref<2x256x64xf32, #tpu.memory_space<vmem>> -> memref<1x256x64xf32, #tpu.memory_space<vmem>>
      %dma_wait3A_251 = tpu.memref_squeeze %dma_wait3A_250 : memref<1x256x64xf32, #tpu.memory_space<vmem>> -> memref<256x64xf32, #tpu.memory_space<vmem>>
      %dma_wait3A_252 = arith.constant 128 : i32
      %dma_wait3A_253 = arith.constant 0 : i32
      %dma_wait3A_254 = tpu.memref_slice %dma_wait3A_251[%dma_wait3A_252, %dma_wait3A_253] : memref<256x64xf32, #tpu.memory_space<vmem>> -> memref<32x64xf32, #tpu.memory_space<vmem>>
      %dma_wait3A_255 = arith.constant 0 : i32
      %dma_wait3A_256 = tpu.memref_slice %arg8[%dma_wait3A_245, %dma_wait3A_246, %dma_wait3A_255] : memref<2x8x32xi32, #tpu.memory_space<vmem>> -> memref<1x1x32xi32, #tpu.memory_space<vmem>>
      %dma_wait3A_257 = tpu.memref_squeeze %dma_wait3A_256 : memref<1x1x32xi32, #tpu.memory_space<vmem>> -> memref<32xi32, #tpu.memory_space<vmem>>
      %dma_wait3A_258 = arith.constant 0 : i32
      %dma_wait3A_259 = arith.constant 0 : i32
      %dma_wait3A_260 = tpu.memref_slice %arg3[%dma_wait3A_258, %dma_wait3A_259] : memref<1000000x64xf32, #tpu.memory_space<hbm>> -> memref<1000000x64xf32, #tpu.memory_space<hbm>>
      tpu.wait_indirect_dma semaphore(%arg11 : memref<!tpu.dma_semaphore, #tpu.memory_space<semaphore_mem>>) src(%dma_wait3A_260 : memref<1000000x64xf32, #tpu.memory_space<hbm>>) dst(%dma_wait3A_254 : memref<32x64xf32, #tpu.memory_space<vmem>>)
      %dma_wait3A_261 = arith.constant 0 : i32
      %dma_wait3A_262 = arith.constant 5 : i32
      %dma_wait3A_263 = arith.constant 0 : i32
      %dma_wait3A_264 = arith.constant 0 : i32
      %dma_wait3A_265 = arith.constant 0 : i32
      %dma_wait3A_266 = tpu.memref_slice %arg9[%dma_wait3A_263, %dma_wait3A_264, %dma_wait3A_265] : memref<2x256x64xf32, #tpu.memory_space<vmem>> -> memref<1x256x64xf32, #tpu.memory_space<vmem>>
      %dma_wait3A_267 = tpu.memref_squeeze %dma_wait3A_266 : memref<1x256x64xf32, #tpu.memory_space<vmem>> -> memref<256x64xf32, #tpu.memory_space<vmem>>
      %dma_wait3A_268 = arith.constant 160 : i32
      %dma_wait3A_269 = arith.constant 0 : i32
      %dma_wait3A_270 = tpu.memref_slice %dma_wait3A_267[%dma_wait3A_268, %dma_wait3A_269] : memref<256x64xf32, #tpu.memory_space<vmem>> -> memref<32x64xf32, #tpu.memory_space<vmem>>
      %dma_wait3A_271 = arith.constant 0 : i32
      %dma_wait3A_272 = tpu.memref_slice %arg8[%dma_wait3A_261, %dma_wait3A_262, %dma_wait3A_271] : memref<2x8x32xi32, #tpu.memory_space<vmem>> -> memref<1x1x32xi32, #tpu.memory_space<vmem>>
      %dma_wait3A_273 = tpu.memref_squeeze %dma_wait3A_272 : memref<1x1x32xi32, #tpu.memory_space<vmem>> -> memref<32xi32, #tpu.memory_space<vmem>>
      %dma_wait3A_274 = arith.constant 0 : i32
      %dma_wait3A_275 = arith.constant 0 : i32
      %dma_wait3A_276 = tpu.memref_slice %arg3[%dma_wait3A_274, %dma_wait3A_275] : memref<1000000x64xf32, #tpu.memory_space<hbm>> -> memref<1000000x64xf32, #tpu.memory_space<hbm>>
      tpu.wait_indirect_dma semaphore(%arg11 : memref<!tpu.dma_semaphore, #tpu.memory_space<semaphore_mem>>) src(%dma_wait3A_276 : memref<1000000x64xf32, #tpu.memory_space<hbm>>) dst(%dma_wait3A_270 : memref<32x64xf32, #tpu.memory_space<vmem>>)
      %dma_wait3A_277 = arith.constant 0 : i32
      %dma_wait3A_278 = arith.constant 6 : i32
      %dma_wait3A_279 = arith.constant 0 : i32
      %dma_wait3A_280 = arith.constant 0 : i32
      %dma_wait3A_281 = arith.constant 0 : i32
      %dma_wait3A_282 = tpu.memref_slice %arg9[%dma_wait3A_279, %dma_wait3A_280, %dma_wait3A_281] : memref<2x256x64xf32, #tpu.memory_space<vmem>> -> memref<1x256x64xf32, #tpu.memory_space<vmem>>
      %dma_wait3A_283 = tpu.memref_squeeze %dma_wait3A_282 : memref<1x256x64xf32, #tpu.memory_space<vmem>> -> memref<256x64xf32, #tpu.memory_space<vmem>>
      %dma_wait3A_284 = arith.constant 192 : i32
      %dma_wait3A_285 = arith.constant 0 : i32
      %dma_wait3A_286 = tpu.memref_slice %dma_wait3A_283[%dma_wait3A_284, %dma_wait3A_285] : memref<256x64xf32, #tpu.memory_space<vmem>> -> memref<32x64xf32, #tpu.memory_space<vmem>>
      %dma_wait3A_287 = arith.constant 0 : i32
      %dma_wait3A_288 = tpu.memref_slice %arg8[%dma_wait3A_277, %dma_wait3A_278, %dma_wait3A_287] : memref<2x8x32xi32, #tpu.memory_space<vmem>> -> memref<1x1x32xi32, #tpu.memory_space<vmem>>
      %dma_wait3A_289 = tpu.memref_squeeze %dma_wait3A_288 : memref<1x1x32xi32, #tpu.memory_space<vmem>> -> memref<32xi32, #tpu.memory_space<vmem>>
      %dma_wait3A_290 = arith.constant 0 : i32
      %dma_wait3A_291 = arith.constant 0 : i32
      %dma_wait3A_292 = tpu.memref_slice %arg3[%dma_wait3A_290, %dma_wait3A_291] : memref<1000000x64xf32, #tpu.memory_space<hbm>> -> memref<1000000x64xf32, #tpu.memory_space<hbm>>
      tpu.wait_indirect_dma semaphore(%arg11 : memref<!tpu.dma_semaphore, #tpu.memory_space<semaphore_mem>>) src(%dma_wait3A_292 : memref<1000000x64xf32, #tpu.memory_space<hbm>>) dst(%dma_wait3A_286 : memref<32x64xf32, #tpu.memory_space<vmem>>)
      %dma_wait3A_293 = arith.constant 0 : i32
      %dma_wait3A_294 = arith.constant 7 : i32
      %dma_wait3A_295 = arith.constant 0 : i32
      %dma_wait3A_296 = arith.constant 0 : i32
      %dma_wait3A_297 = arith.constant 0 : i32
      %dma_wait3A_298 = tpu.memref_slice %arg9[%dma_wait3A_295, %dma_wait3A_296, %dma_wait3A_297] : memref<2x256x64xf32, #tpu.memory_space<vmem>> -> memref<1x256x64xf32, #tpu.memory_space<vmem>>
      %dma_wait3A_299 = tpu.memref_squeeze %dma_wait3A_298 : memref<1x256x64xf32, #tpu.memory_space<vmem>> -> memref<256x64xf32, #tpu.memory_space<vmem>>
      %dma_wait3A_300 = arith.constant 224 : i32
      %dma_wait3A_301 = arith.constant 0 : i32
      %dma_wait3A_302 = tpu.memref_slice %dma_wait3A_299[%dma_wait3A_300, %dma_wait3A_301] : memref<256x64xf32, #tpu.memory_space<vmem>> -> memref<32x64xf32, #tpu.memory_space<vmem>>
      %dma_wait3A_303 = arith.constant 0 : i32
      %dma_wait3A_304 = tpu.memref_slice %arg8[%dma_wait3A_293, %dma_wait3A_294, %dma_wait3A_303] : memref<2x8x32xi32, #tpu.memory_space<vmem>> -> memref<1x1x32xi32, #tpu.memory_space<vmem>>
      %dma_wait3A_305 = tpu.memref_squeeze %dma_wait3A_304 : memref<1x1x32xi32, #tpu.memory_space<vmem>> -> memref<32xi32, #tpu.memory_space<vmem>>
      %dma_wait3A_306 = arith.constant 0 : i32
      %dma_wait3A_307 = arith.constant 0 : i32
      %dma_wait3A_308 = tpu.memref_slice %arg3[%dma_wait3A_306, %dma_wait3A_307] : memref<1000000x64xf32, #tpu.memory_space<hbm>> -> memref<1000000x64xf32, #tpu.memory_space<hbm>>
      tpu.wait_indirect_dma semaphore(%arg11 : memref<!tpu.dma_semaphore, #tpu.memory_space<semaphore_mem>>) src(%dma_wait3A_308 : memref<1000000x64xf32, #tpu.memory_space<hbm>>) dst(%dma_wait3A_302 : memref<32x64xf32, #tpu.memory_space<vmem>>)
      %get3A = arith.constant 0 : i32
      %get3A_309 = arith.index_cast %get3A : i32 to index
      %get3A_310 = arith.constant 0 : index
      %get3A_311 = tpu.vector_load %arg10[%get3A_309, %get3A_310] {strides = array<i32>} : memref<2x16xi32, #tpu.memory_space<vmem>>, vector<16xi32>,
      %slice3A = vector.extract_strided_slice %get3A_311 {offsets = [0], sizes = [1], strides = [1]} : vector<16xi32> to vector<1xi32>
      %squeeze3A = vector.extract %slice3A[0] : i32 from vector<1xi32>
      %gt3A = arith.constant 0 : i32
      %gt3A_312 = arith.cmpi sgt, %squeeze3A, %gt3A : i32
      %convert_element_type3A_313 = arith.extui %gt3A_312 : i1 to i32
      %cond3A_314 = arith.constant 0 : i32
      %cond3A_315 = arith.cmpi ne, %convert_element_type3A_313, %cond3A_314 : i32
      scf.if %cond3A_315 {
        %scan3A_498 = arith.constant 0 : i32
        %scan3A_499 = arith.constant 0 : i32
        %scan3A_500 = arith.constant 16 : i32
        %scan3A_501 = arith.addi %scan3A_499, %scan3A_500 : i32
        %scan3A_502 = arith.constant 1 : i32
        scf.for %scan3A_504 = %scan3A_499 to %scan3A_501 step %scan3A_502  : i32 {
          %mul3A_505 = arith.constant 16 : i32
          %mul3A_506 = arith.muli %scan3A_504, %mul3A_505 : i32
          %get3A_507 = arith.constant 0 : i32
          %get3A_508 = arith.index_cast %get3A_507 : i32 to index
          %get3A_509 = arith.index_cast %mul3A_506 : i32 to index
          %get3A_510 = tpu.vector_load %arg7[%get3A_508, %get3A_509] {strides = array<i32>} : memref<2x256xi32, #tpu.memory_space<vmem>>, vector<16xi32>,
          %ge3A = arith.constant 1000000 : i32
          %ge3A_511 = vector.broadcast %ge3A : i32 to vector<16xi32>
          %ge3A_512 = arith.cmpi sge, %get3A_510, %ge3A_511 : vector<16xi32>
          %all_reduce_population_count3A = tpu.all_reduce %ge3A_512 {dim = 0 : i64, kind = #tpu.reduction_kind<sum>} : vector<16xi1> -> vector<16xi32>
          %slice3A_513 = vector.extract_strided_slice %all_reduce_population_count3A {offsets = [0], sizes = [1], strides = [1]} : vector<16xi32> to vector<1xi32>
          %squeeze3A_514 = vector.extract %slice3A_513[0] : i32 from vector<1xi32>
          %gt3A_515 = arith.constant 0 : i32
          %gt3A_516 = arith.cmpi sgt, %squeeze3A_514, %gt3A_515 : i32
          %convert_element_type3A_517 = arith.extui %gt3A_516 : i1 to i32
          %cond3A_518 = arith.constant 0 : i32
          %cond3A_519 = arith.cmpi ne, %convert_element_type3A_517, %cond3A_518 : i32
          scf.if %cond3A_519 {
            %sub3A = arith.constant 1000000 : i32
            %sub3A_520 = vector.broadcast %sub3A : i32 to vector<16xi32>
            %sub3A_521 = arith.subi %get3A_510, %sub3A_520 : vector<16xi32>
            %jit3A = arith.constant 0 : i32
            %broadcast_in_dim3A_522 = vector.broadcast %jit3A : i32 to vector<16xi32>
            %select_n3A = arith.select %ge3A_512, %sub3A_521, %broadcast_in_dim3A_522 : vector<16xi1>, vector<16xi32>
            %mul3A_523 = arith.constant 16 : i32
            %mul3A_524 = arith.muli %scan3A_504, %mul3A_523 : i32
            %add3A_525 = vector.broadcast %mul3A_524 : i32 to vector<16xi32>
            %add3A_526 = arith.addi %add3A_525, %iota3A : vector<16xi32>
            %scan3A_527 = arith.constant 0 : i32
            %scan3A_528 = arith.constant 0 : i32
            %scan3A_529 = arith.constant 64 : i32
            %scan3A_530 = arith.addi %scan3A_528, %scan3A_529 : i32
            %scan3A_531 = arith.constant 1 : i32
            scf.for %scan3A_533 = %scan3A_528 to %scan3A_530 step %scan3A_531  : i32 {
              %broadcast_in_dim3A_534 = vector.broadcast %scan3A_533 : i32 to vector<16xi32>
              %gather3A = tpu.vector_load_idx %arg6[%select_n3A, %broadcast_in_dim3A_534] masked %ge3A_512 : memref<1000x64xf32, #tpu.memory_space<vmem>>[vector<16xi32>, vector<16xi32>], vector<16xf32>, vector<16xi1>
              %scatter3A = arith.constant 0 : i32
              %scatter3A_535 = arith.constant 0 : i32
              %scatter3A_536 = arith.constant 0 : i32
              %scatter3A_537 = tpu.memref_slice %arg9[%scatter3A, %scatter3A_535, %scatter3A_536] : memref<2x256x64xf32, #tpu.memory_space<vmem>> -> memref<1x256x64xf32, #tpu.memory_space<vmem>>
              %scatter3A_538 = tpu.memref_squeeze %scatter3A_537 : memref<1x256x64xf32, #tpu.memory_space<vmem>> -> memref<256x64xf32, #tpu.memory_space<vmem>>
              tpu.vector_store_idx %scatter3A_538[%add3A_526, %broadcast_in_dim3A_534], %gather3A masked %ge3A_512 : memref<256x64xf32, #tpu.memory_space<vmem>>[vector<16xi32>, vector<16xi32>], vector<16xf32>, vector<16xi1>
            }
            %scan3A_532 = arith.constant 64 : i32
          } else {
          }
        }
        %scan3A_503 = arith.constant 16 : i32
      } else {
      }
      %mul3A_316 = arith.constant 256 : i32
      %mul3A_317 = arith.muli %add3A_176, %mul3A_316 : i32
      %add3A_318 = arith.addi %mul3A_2, %mul3A_317 : i32
      %dma_start3A_319 = arith.constant 0 : i32
      %dma_start3A_320 = arith.constant 0 : i32
      %dma_start3A_321 = arith.constant 0 : i32
      %dma_start3A_322 = tpu.memref_slice %arg9[%dma_start3A_319, %dma_start3A_320, %dma_start3A_321] : memref<2x256x64xf32, #tpu.memory_space<vmem>> -> memref<1x256x64xf32, #tpu.memory_space<vmem>>
      %dma_start3A_323 = tpu.memref_squeeze %dma_start3A_322 : memref<1x256x64xf32, #tpu.memory_space<vmem>> -> memref<256x64xf32, #tpu.memory_space<vmem>>
      %dma_start3A_324 = arith.constant 0 : i32
      %dma_start3A_325 = tpu.memref_slice %arg5[%add3A_318, %dma_start3A_324] : memref<819200x64xf32, #tpu.memory_space<hbm>> -> memref<256x64xf32, #tpu.memory_space<hbm>>
      %dma_start3A_326 = arith.constant 0 : i32
      %dma_start3A_327 = tpu.memref_slice %arg5[%add3A_318, %dma_start3A_326] : memref<819200x64xf32, #tpu.memory_space<hbm>> -> memref<256x64xf32, #tpu.memory_space<hbm>>
      %dma_start3A_328 = arith.constant 0 : i32
      %dma_start3A_329 = arith.constant 0 : i32
      %dma_start3A_330 = tpu.memref_slice %arg9[%dma_start3A_319, %dma_start3A_328, %dma_start3A_329] : memref<2x256x64xf32, #tpu.memory_space<vmem>> -> memref<1x256x64xf32, #tpu.memory_space<vmem>>
      %dma_start3A_331 = tpu.memref_squeeze %dma_start3A_330 : memref<1x256x64xf32, #tpu.memory_space<vmem>> -> memref<256x64xf32, #tpu.memory_space<vmem>>
      tpu.enqueue_dma source(%dma_start3A_331 : memref<256x64xf32, #tpu.memory_space<vmem>>) target(%dma_start3A_327 : memref<256x64xf32, #tpu.memory_space<hbm>>) target_semaphore(%arg13 : memref<!tpu.dma_semaphore, #tpu.memory_space<semaphore_mem>>)
      %mul3A_332 = arith.constant 2 : i32
      %mul3A_333 = arith.muli %scan3A_172, %mul3A_332 : i32
      %add3A_334 = arith.constant 1 : i32
      %add3A_335 = arith.addi %mul3A_333, %add3A_334 : i32
      %add3A_336 = arith.constant 1 : i32
      %add3A_337 = arith.addi %add3A_335, %add3A_336 : i32
      %lt3A_338 = arith.constant 100 : i32
      %lt3A_339 = arith.cmpi slt, %add3A_337, %lt3A_338 : i32
      %convert_element_type3A_340 = arith.extui %lt3A_339 : i1 to i32
      %cond3A_341 = arith.constant 0 : i32
      %cond3A_342 = arith.cmpi ne, %convert_element_type3A_340, %cond3A_341 : i32
      scf.if %cond3A_342 {
        %ge3A = arith.constant 1 : i32
        %ge3A_498 = arith.cmpi sge, %add3A_335, %ge3A : i32
        %convert_element_type3A_499 = arith.extui %ge3A_498 : i1 to i32
        %cond3A_500 = arith.constant 0 : i32
        %cond3A_501 = arith.cmpi ne, %convert_element_type3A_499, %cond3A_500 : i32
        scf.if %cond3A_501 {
          %dma_wait3A_646 = arith.constant 0 : i32
          %dma_wait3A_647 = arith.constant 0 : i32
          %dma_wait3A_648 = arith.constant 0 : i32
          %dma_wait3A_649 = tpu.memref_slice %arg9[%dma_wait3A_646, %dma_wait3A_647, %dma_wait3A_648] : memref<2x256x64xf32, #tpu.memory_space<vmem>> -> memref<1x256x64xf32, #tpu.memory_space<vmem>>
          %dma_wait3A_650 = tpu.memref_squeeze %dma_wait3A_649 : memref<1x256x64xf32, #tpu.memory_space<vmem>> -> memref<256x64xf32, #tpu.memory_space<vmem>>
          %dma_wait3A_651 = arith.constant 0 : i32
          %dma_wait3A_652 = tpu.memref_slice %arg5[%mul3A_2, %dma_wait3A_651] : memref<819200x64xf32, #tpu.memory_space<hbm>> -> memref<256x64xf32, #tpu.memory_space<hbm>>
          %dma_wait3A_653 = arith.constant 0 : i32
          %dma_wait3A_654 = tpu.memref_slice %arg5[%mul3A_2, %dma_wait3A_653] : memref<819200x64xf32, #tpu.memory_space<hbm>> -> memref<256x64xf32, #tpu.memory_space<hbm>>
          %dma_wait3A_655 = arith.constant 0 : i32
          %dma_wait3A_656 = arith.constant 0 : i32
          %dma_wait3A_657 = tpu.memref_slice %arg9[%dma_wait3A_646, %dma_wait3A_655, %dma_wait3A_656] : memref<2x256x64xf32, #tpu.memory_space<vmem>> -> memref<1x256x64xf32, #tpu.memory_space<vmem>>
          %dma_wait3A_658 = tpu.memref_squeeze %dma_wait3A_657 : memref<1x256x64xf32, #tpu.memory_space<vmem>> -> memref<256x64xf32, #tpu.memory_space<vmem>>
          tpu.wait_dma2 semaphore(%arg13 : memref<!tpu.dma_semaphore, #tpu.memory_space<semaphore_mem>>) src(%dma_wait3A_658 : memref<256x64xf32, #tpu.memory_space<vmem>>) dst(%dma_wait3A_654 : memref<256x64xf32, #tpu.memory_space<hbm>>)
        } else {
        }
        %mul3A_502 = arith.constant 256 : i32
        %mul3A_503 = arith.muli %add3A_337, %mul3A_502 : i32
        %add3A_504 = arith.addi %mul3A_2, %mul3A_503 : i32
        %run_scoped3A_505 = arith.constant 0 : i32
        "tpu.region"() ({
          %run_scoped3A_646 = tpu.sem_alloc : memref<!tpu.dma_semaphore, #tpu.memory_space<semaphore_mem>>
          %dma_start3A_647 = arith.constant 0 : i32
          %dma_start3A_648 = tpu.memref_slice %arg7[%run_scoped3A_505, %dma_start3A_647] : memref<2x256xi32, #tpu.memory_space<vmem>> -> memref<1x256xi32, #tpu.memory_space<vmem>>
          %dma_start3A_649 = tpu.memref_squeeze %dma_start3A_648 : memref<1x256xi32, #tpu.memory_space<vmem>> -> memref<256xi32, #tpu.memory_space<vmem>>
          %dma_start3A_650 = tpu.memref_slice %arg2[%add3A_504] : memref<819200xi32, #tpu.memory_space<hbm>> -> memref<256xi32, #tpu.memory_space<hbm>>
          %dma_start3A_651 = arith.constant 0 : i32
          %dma_start3A_652 = tpu.memref_slice %arg7[%run_scoped3A_505, %dma_start3A_651] : memref<2x256xi32, #tpu.memory_space<vmem>> -> memref<1x256xi32, #tpu.memory_space<vmem>>
          %dma_start3A_653 = tpu.memref_squeeze %dma_start3A_652 : memref<1x256xi32, #tpu.memory_space<vmem>> -> memref<256xi32, #tpu.memory_space<vmem>>
          %dma_start3A_654 = tpu.memref_slice %arg2[%add3A_504] : memref<819200xi32, #tpu.memory_space<hbm>> -> memref<256xi32, #tpu.memory_space<hbm>>
          tpu.enqueue_dma source(%dma_start3A_654 : memref<256xi32, #tpu.memory_space<hbm>>) target(%dma_start3A_653 : memref<256xi32, #tpu.memory_space<vmem>>) target_semaphore(%run_scoped3A_646 : memref<!tpu.dma_semaphore, #tpu.memory_space<semaphore_mem>>)
          %dma_wait3A_655 = arith.constant 0 : i32
          %dma_wait3A_656 = tpu.memref_slice %arg7[%run_scoped3A_505, %dma_wait3A_655] : memref<2x256xi32, #tpu.memory_space<vmem>> -> memref<1x256xi32, #tpu.memory_space<vmem>>
          %dma_wait3A_657 = tpu.memref_squeeze %dma_wait3A_656 : memref<1x256xi32, #tpu.memory_space<vmem>> -> memref<256xi32, #tpu.memory_space<vmem>>
          %dma_wait3A_658 = tpu.memref_slice %arg2[%add3A_504] : memref<819200xi32, #tpu.memory_space<hbm>> -> memref<256xi32, #tpu.memory_space<hbm>>
          %dma_wait3A_659 = arith.constant 0 : i32
          %dma_wait3A_660 = tpu.memref_slice %arg7[%run_scoped3A_505, %dma_wait3A_659] : memref<2x256xi32, #tpu.memory_space<vmem>> -> memref<1x256xi32, #tpu.memory_space<vmem>>
          %dma_wait3A_661 = tpu.memref_squeeze %dma_wait3A_660 : memref<1x256xi32, #tpu.memory_space<vmem>> -> memref<256xi32, #tpu.memory_space<vmem>>
          %dma_wait3A_662 = tpu.memref_slice %arg2[%add3A_504] : memref<819200xi32, #tpu.memory_space<hbm>> -> memref<256xi32, #tpu.memory_space<hbm>>
          tpu.wait_dma2 semaphore(%run_scoped3A_646 : memref<!tpu.dma_semaphore, #tpu.memory_space<semaphore_mem>>) src(%dma_wait3A_662 : memref<256xi32, #tpu.memory_space<hbm>>) dst(%dma_wait3A_661 : memref<256xi32, #tpu.memory_space<vmem>>)
          tpu.yield
        }) : () -> ()
        %broadcast_in_dim3A_506 = arith.constant 0 : i32
        %broadcast_in_dim3A_507 = vector.broadcast %broadcast_in_dim3A_506 : i32 to vector<16xi32>
        %swap3A_508 = arith.constant 0 : i32
        %swap3A_509 = arith.index_cast %swap3A_508 : i32 to index
        %swap3A_510 = arith.constant 0 : index
        %swap3A_511 = tpu.vector_load %arg10[%swap3A_509, %swap3A_510] {strides = array<i32>} : memref<2x16xi32, #tpu.memory_space<vmem>>, vector<16xi32>,
        tpu.vector_store %arg10[%swap3A_509, %swap3A_510], %broadcast_in_dim3A_507 {strides = array<i32>} : memref<2x16xi32, #tpu.memory_space<vmem>>, vector<16xi32>,
        %scan3A_512 = arith.constant 0 : i32
        %scan3A_513 = arith.constant 0 : i32
        %scan3A_514 = arith.constant 16 : i32
        %scan3A_515 = arith.addi %scan3A_513, %scan3A_514 : i32
        %scan3A_516 = arith.constant 1 : i32
        scf.for %scan3A_646 = %scan3A_513 to %scan3A_515 step %scan3A_516  : i32 {
          %mul3A_647 = arith.constant 16 : i32
          %mul3A_648 = arith.muli %scan3A_646, %mul3A_647 : i32
          %get3A_649 = arith.constant 0 : i32
          %get3A_650 = arith.index_cast %get3A_649 : i32 to index
          %get3A_651 = arith.index_cast %mul3A_648 : i32 to index
          %get3A_652 = tpu.vector_load %arg7[%get3A_650, %get3A_651] {strides = array<i32>} : memref<2x256xi32, #tpu.memory_space<vmem>>, vector<16xi32>,
          %ge3A_653 = arith.constant 1000000 : i32
          %ge3A_654 = vector.broadcast %ge3A_653 : i32 to vector<16xi32>
          %ge3A_655 = arith.cmpi sge, %get3A_652, %ge3A_654 : vector<16xi32>
          %jit3A = arith.constant 0 : i32
          %broadcast_in_dim3A_656 = vector.broadcast %jit3A : i32 to vector<16xi32>
          %select_n3A = arith.select %ge3A_655, %broadcast_in_dim3A_656, %get3A_652 : vector<16xi1>, vector<16xi32>
          %jit3A_657 = arith.constant 2 : i32
          %div3A = arith.divsi %scan3A_646, %jit3A_657 : i32
          %sign3A = arith.constant 0 : i32
          %sign3A_658 = arith.cmpi sgt, %scan3A_646, %sign3A : i32
          %sign3A_659 = arith.extui %sign3A_658 : i1 to i32
          %sign3A_660 = arith.constant 0 : i32
          %sign3A_661 = arith.cmpi slt, %scan3A_646, %sign3A_660 : i32
          %sign3A_662 = arith.extui %sign3A_661 : i1 to i32
          %sign3A_663 = arith.subi %sign3A_659, %sign3A_662 : i32
          %sign3A_664 = arith.constant 0 : i32
          %sign3A_665 = arith.cmpi sgt, %jit3A_657, %sign3A_664 : i32
          %sign3A_666 = arith.extui %sign3A_665 : i1 to i32
          %sign3A_667 = arith.constant 0 : i32
          %sign3A_668 = arith.cmpi slt, %jit3A_657, %sign3A_667 : i32
          %sign3A_669 = arith.extui %sign3A_668 : i1 to i32
          %sign3A_670 = arith.subi %sign3A_666, %sign3A_669 : i32
          %ne3A = arith.cmpi ne, %sign3A_663, %sign3A_670 : i32
          %rem3A = arith.remsi %scan3A_646, %jit3A_657 : i32
          %ne3A_671 = arith.constant 0 : i32
          %ne3A_672 = arith.cmpi ne, %rem3A, %ne3A_671 : i32
          %and3A = arith.andi %ne3A, %ne3A_672 : i1
          %sub3A = arith.constant 1 : i32
          %sub3A_673 = arith.subi %div3A, %sub3A : i32
          %select_n3A_674 = arith.select %and3A, %sub3A_673, %div3A : i32
          %jit3A_675 = arith.constant 2 : i32
          %eq3A = arith.constant 0 : i32
          %eq3A_676 = arith.cmpi eq, %jit3A_675, %eq3A : i32
          %jit3A_677 = arith.constant 1 : i32
          %select_n3A_678 = arith.select %eq3A_676, %jit3A_677, %jit3A_675 : i32
          %rem3A_679 = arith.remsi %scan3A_646, %select_n3A_678 : i32
          %ne3A_680 = arith.constant 0 : i32
          %ne3A_681 = arith.cmpi ne, %rem3A_679, %ne3A_680 : i32
          %lt3A_682 = arith.constant 0 : i32
          %lt3A_683 = arith.cmpi slt, %rem3A_679, %lt3A_682 : i32
          %lt3A_684 = arith.constant 0 : i32
          %lt3A_685 = arith.cmpi slt, %select_n3A_678, %lt3A_684 : i32
          %ne3A_686 = arith.xori %lt3A_683, %lt3A_685 : i1
          %and3A_687 = arith.andi %ne3A_686, %ne3A_681 : i1
          %add3A_688 = arith.addi %rem3A_679, %select_n3A_678 : i32
          %select_n3A_689 = arith.select %and3A_687, %add3A_688, %rem3A_679 : i32
          %mul3A_690 = arith.constant 16 : i32
          %mul3A_691 = arith.muli %select_n3A_689, %mul3A_690 : i32
          %swap3A_692 = arith.constant 0 : i32
          %swap3A_693 = arith.index_cast %swap3A_692 : i32 to index
          %swap3A_694 = arith.index_cast %select_n3A_674 : i32 to index
          %swap3A_695 = arith.index_cast %mul3A_691 : i32 to index
          %swap3A_696 = tpu.vector_load %arg8[%swap3A_693, %swap3A_694, %swap3A_695] {strides = array<i32>} : memref<2x8x32xi32, #tpu.memory_space<vmem>>, vector<16xi32>,
          tpu.vector_store %arg8[%swap3A_693, %swap3A_694, %swap3A_695], %select_n3A {strides = array<i32>} : memref<2x8x32xi32, #tpu.memory_space<vmem>>, vector<16xi32>,
          %broadcast_in_dim3A_697 = arith.constant 0 : i32
          %broadcast_in_dim3A_698 = vector.broadcast %broadcast_in_dim3A_697 : i32 to vector<16xi32>
          %broadcast_in_dim3A_699 = arith.constant 1 : i32
          %broadcast_in_dim3A_700 = vector.broadcast %broadcast_in_dim3A_699 : i32 to vector<16xi32>
          %scatter3A = arith.constant 0 : i32
          %scatter3A_701 = arith.constant 0 : i32
          %scatter3A_702 = tpu.memref_slice %arg10[%scatter3A, %scatter3A_701] : memref<2x16xi32, #tpu.memory_space<vmem>> -> memref<1x16xi32, #tpu.memory_space<vmem>>
          %scatter3A_703 = tpu.memref_squeeze %scatter3A_702 : memref<1x16xi32, #tpu.memory_space<vmem>> -> memref<16xi32, #tpu.memory_space<vmem>>
          tpu.vector_store_idx %scatter3A_703[%broadcast_in_dim3A_698], %broadcast_in_dim3A_700 masked %ge3A_655 : memref<16xi32, #tpu.memory_space<vmem>>[vector<16xi32>], vector<16xi32>, vector<16xi1>
        }
        %scan3A_517 = arith.constant 16 : i32
        %dma_start3A_518 = arith.constant 0 : i32
        %dma_start3A_519 = arith.constant 0 : i32
        %dma_start3A_520 = arith.constant 0 : i32
        %dma_start3A_521 = arith.constant 0 : i32
        %dma_start3A_522 = arith.constant 0 : i32
        %dma_start3A_523 = tpu.memref_slice %arg9[%dma_start3A_520, %dma_start3A_521, %dma_start3A_522] : memref<2x256x64xf32, #tpu.memory_space<vmem>> -> memref<1x256x64xf32, #tpu.memory_space<vmem>>
        %dma_start3A_524 = tpu.memref_squeeze %dma_start3A_523 : memref<1x256x64xf32, #tpu.memory_space<vmem>> -> memref<256x64xf32, #tpu.memory_space<vmem>>
        %dma_start3A_525 = arith.constant 0 : i32
        %dma_start3A_526 = arith.constant 0 : i32
        %dma_start3A_527 = tpu.memref_slice %dma_start3A_524[%dma_start3A_525, %dma_start3A_526] : memref<256x64xf32, #tpu.memory_space<vmem>> -> memref<32x64xf32, #tpu.memory_space<vmem>>
        %dma_start3A_528 = arith.constant 0 : i32
        %dma_start3A_529 = tpu.memref_slice %arg8[%dma_start3A_518, %dma_start3A_519, %dma_start3A_528] : memref<2x8x32xi32, #tpu.memory_space<vmem>> -> memref<1x1x32xi32, #tpu.memory_space<vmem>>
        %dma_start3A_530 = tpu.memref_squeeze %dma_start3A_529 : memref<1x1x32xi32, #tpu.memory_space<vmem>> -> memref<32xi32, #tpu.memory_space<vmem>>
        %dma_start3A_531 = arith.constant 0 : i32
        %dma_start3A_532 = arith.constant 0 : i32
        %dma_start3A_533 = tpu.memref_slice %arg3[%dma_start3A_531, %dma_start3A_532] : memref<1000000x64xf32, #tpu.memory_space<hbm>> -> memref<1000000x64xf32, #tpu.memory_space<hbm>>
        tpu.enqueue_indirect_dma source(%dma_start3A_533 : memref<1000000x64xf32, #tpu.memory_space<hbm>>) target(%dma_start3A_527 : memref<32x64xf32, #tpu.memory_space<vmem>>) offsets(%dma_start3A_530 : memref<32xi32, #tpu.memory_space<vmem>>) semaphore(%arg11 : memref<!tpu.dma_semaphore, #tpu.memory_space<semaphore_mem>>)
        %dma_start3A_534 = arith.constant 0 : i32
        %dma_start3A_535 = arith.constant 1 : i32
        %dma_start3A_536 = arith.constant 0 : i32
        %dma_start3A_537 = arith.constant 0 : i32
        %dma_start3A_538 = arith.constant 0 : i32
        %dma_start3A_539 = tpu.memref_slice %arg9[%dma_start3A_536, %dma_start3A_537, %dma_start3A_538] : memref<2x256x64xf32, #tpu.memory_space<vmem>> -> memref<1x256x64xf32, #tpu.memory_space<vmem>>
        %dma_start3A_540 = tpu.memref_squeeze %dma_start3A_539 : memref<1x256x64xf32, #tpu.memory_space<vmem>> -> memref<256x64xf32, #tpu.memory_space<vmem>>
        %dma_start3A_541 = arith.constant 32 : i32
        %dma_start3A_542 = arith.constant 0 : i32
        %dma_start3A_543 = tpu.memref_slice %dma_start3A_540[%dma_start3A_541, %dma_start3A_542] : memref<256x64xf32, #tpu.memory_space<vmem>> -> memref<32x64xf32, #tpu.memory_space<vmem>>
        %dma_start3A_544 = arith.constant 0 : i32
        %dma_start3A_545 = tpu.memref_slice %arg8[%dma_start3A_534, %dma_start3A_535, %dma_start3A_544] : memref<2x8x32xi32, #tpu.memory_space<vmem>> -> memref<1x1x32xi32, #tpu.memory_space<vmem>>
        %dma_start3A_546 = tpu.memref_squeeze %dma_start3A_545 : memref<1x1x32xi32, #tpu.memory_space<vmem>> -> memref<32xi32, #tpu.memory_space<vmem>>
        %dma_start3A_547 = arith.constant 0 : i32
        %dma_start3A_548 = arith.constant 0 : i32
        %dma_start3A_549 = tpu.memref_slice %arg3[%dma_start3A_547, %dma_start3A_548] : memref<1000000x64xf32, #tpu.memory_space<hbm>> -> memref<1000000x64xf32, #tpu.memory_space<hbm>>
        tpu.enqueue_indirect_dma source(%dma_start3A_549 : memref<1000000x64xf32, #tpu.memory_space<hbm>>) target(%dma_start3A_543 : memref<32x64xf32, #tpu.memory_space<vmem>>) offsets(%dma_start3A_546 : memref<32xi32, #tpu.memory_space<vmem>>) semaphore(%arg11 : memref<!tpu.dma_semaphore, #tpu.memory_space<semaphore_mem>>)
        %dma_start3A_550 = arith.constant 0 : i32
        %dma_start3A_551 = arith.constant 2 : i32
        %dma_start3A_552 = arith.constant 0 : i32
        %dma_start3A_553 = arith.constant 0 : i32
        %dma_start3A_554 = arith.constant 0 : i32
        %dma_start3A_555 = tpu.memref_slice %arg9[%dma_start3A_552, %dma_start3A_553, %dma_start3A_554] : memref<2x256x64xf32, #tpu.memory_space<vmem>> -> memref<1x256x64xf32, #tpu.memory_space<vmem>>
        %dma_start3A_556 = tpu.memref_squeeze %dma_start3A_555 : memref<1x256x64xf32, #tpu.memory_space<vmem>> -> memref<256x64xf32, #tpu.memory_space<vmem>>
        %dma_start3A_557 = arith.constant 64 : i32
        %dma_start3A_558 = arith.constant 0 : i32
        %dma_start3A_559 = tpu.memref_slice %dma_start3A_556[%dma_start3A_557, %dma_start3A_558] : memref<256x64xf32, #tpu.memory_space<vmem>> -> memref<32x64xf32, #tpu.memory_space<vmem>>
        %dma_start3A_560 = arith.constant 0 : i32
        %dma_start3A_561 = tpu.memref_slice %arg8[%dma_start3A_550, %dma_start3A_551, %dma_start3A_560] : memref<2x8x32xi32, #tpu.memory_space<vmem>> -> memref<1x1x32xi32, #tpu.memory_space<vmem>>
        %dma_start3A_562 = tpu.memref_squeeze %dma_start3A_561 : memref<1x1x32xi32, #tpu.memory_space<vmem>> -> memref<32xi32, #tpu.memory_space<vmem>>
        %dma_start3A_563 = arith.constant 0 : i32
        %dma_start3A_564 = arith.constant 0 : i32
        %dma_start3A_565 = tpu.memref_slice %arg3[%dma_start3A_563, %dma_start3A_564] : memref<1000000x64xf32, #tpu.memory_space<hbm>> -> memref<1000000x64xf32, #tpu.memory_space<hbm>>
        tpu.enqueue_indirect_dma source(%dma_start3A_565 : memref<1000000x64xf32, #tpu.memory_space<hbm>>) target(%dma_start3A_559 : memref<32x64xf32, #tpu.memory_space<vmem>>) offsets(%dma_start3A_562 : memref<32xi32, #tpu.memory_space<vmem>>) semaphore(%arg11 : memref<!tpu.dma_semaphore, #tpu.memory_space<semaphore_mem>>)
        %dma_start3A_566 = arith.constant 0 : i32
        %dma_start3A_567 = arith.constant 3 : i32
        %dma_start3A_568 = arith.constant 0 : i32
        %dma_start3A_569 = arith.constant 0 : i32
        %dma_start3A_570 = arith.constant 0 : i32
        %dma_start3A_571 = tpu.memref_slice %arg9[%dma_start3A_568, %dma_start3A_569, %dma_start3A_570] : memref<2x256x64xf32, #tpu.memory_space<vmem>> -> memref<1x256x64xf32, #tpu.memory_space<vmem>>
        %dma_start3A_572 = tpu.memref_squeeze %dma_start3A_571 : memref<1x256x64xf32, #tpu.memory_space<vmem>> -> memref<256x64xf32, #tpu.memory_space<vmem>>
        %dma_start3A_573 = arith.constant 96 : i32
        %dma_start3A_574 = arith.constant 0 : i32
        %dma_start3A_575 = tpu.memref_slice %dma_start3A_572[%dma_start3A_573, %dma_start3A_574] : memref<256x64xf32, #tpu.memory_space<vmem>> -> memref<32x64xf32, #tpu.memory_space<vmem>>
        %dma_start3A_576 = arith.constant 0 : i32
        %dma_start3A_577 = tpu.memref_slice %arg8[%dma_start3A_566, %dma_start3A_567, %dma_start3A_576] : memref<2x8x32xi32, #tpu.memory_space<vmem>> -> memref<1x1x32xi32, #tpu.memory_space<vmem>>
        %dma_start3A_578 = tpu.memref_squeeze %dma_start3A_577 : memref<1x1x32xi32, #tpu.memory_space<vmem>> -> memref<32xi32, #tpu.memory_space<vmem>>
        %dma_start3A_579 = arith.constant 0 : i32
        %dma_start3A_580 = arith.constant 0 : i32
        %dma_start3A_581 = tpu.memref_slice %arg3[%dma_start3A_579, %dma_start3A_580] : memref<1000000x64xf32, #tpu.memory_space<hbm>> -> memref<1000000x64xf32, #tpu.memory_space<hbm>>
        tpu.enqueue_indirect_dma source(%dma_start3A_581 : memref<1000000x64xf32, #tpu.memory_space<hbm>>) target(%dma_start3A_575 : memref<32x64xf32, #tpu.memory_space<vmem>>) offsets(%dma_start3A_578 : memref<32xi32, #tpu.memory_space<vmem>>) semaphore(%arg11 : memref<!tpu.dma_semaphore, #tpu.memory_space<semaphore_mem>>)
        %dma_start3A_582 = arith.constant 0 : i32
        %dma_start3A_583 = arith.constant 4 : i32
        %dma_start3A_584 = arith.constant 0 : i32
        %dma_start3A_585 = arith.constant 0 : i32
        %dma_start3A_586 = arith.constant 0 : i32
        %dma_start3A_587 = tpu.memref_slice %arg9[%dma_start3A_584, %dma_start3A_585, %dma_start3A_586] : memref<2x256x64xf32, #tpu.memory_space<vmem>> -> memref<1x256x64xf32, #tpu.memory_space<vmem>>
        %dma_start3A_588 = tpu.memref_squeeze %dma_start3A_587 : memref<1x256x64xf32, #tpu.memory_space<vmem>> -> memref<256x64xf32, #tpu.memory_space<vmem>>
        %dma_start3A_589 = arith.constant 128 : i32
        %dma_start3A_590 = arith.constant 0 : i32
        %dma_start3A_591 = tpu.memref_slice %dma_start3A_588[%dma_start3A_589, %dma_start3A_590] : memref<256x64xf32, #tpu.memory_space<vmem>> -> memref<32x64xf32, #tpu.memory_space<vmem>>
        %dma_start3A_592 = arith.constant 0 : i32
        %dma_start3A_593 = tpu.memref_slice %arg8[%dma_start3A_582, %dma_start3A_583, %dma_start3A_592] : memref<2x8x32xi32, #tpu.memory_space<vmem>> -> memref<1x1x32xi32, #tpu.memory_space<vmem>>
        %dma_start3A_594 = tpu.memref_squeeze %dma_start3A_593 : memref<1x1x32xi32, #tpu.memory_space<vmem>> -> memref<32xi32, #tpu.memory_space<vmem>>
        %dma_start3A_595 = arith.constant 0 : i32
        %dma_start3A_596 = arith.constant 0 : i32
        %dma_start3A_597 = tpu.memref_slice %arg3[%dma_start3A_595, %dma_start3A_596] : memref<1000000x64xf32, #tpu.memory_space<hbm>> -> memref<1000000x64xf32, #tpu.memory_space<hbm>>
        tpu.enqueue_indirect_dma source(%dma_start3A_597 : memref<1000000x64xf32, #tpu.memory_space<hbm>>) target(%dma_start3A_591 : memref<32x64xf32, #tpu.memory_space<vmem>>) offsets(%dma_start3A_594 : memref<32xi32, #tpu.memory_space<vmem>>) semaphore(%arg11 : memref<!tpu.dma_semaphore, #tpu.memory_space<semaphore_mem>>)
        %dma_start3A_598 = arith.constant 0 : i32
        %dma_start3A_599 = arith.constant 5 : i32
        %dma_start3A_600 = arith.constant 0 : i32
        %dma_start3A_601 = arith.constant 0 : i32
        %dma_start3A_602 = arith.constant 0 : i32
        %dma_start3A_603 = tpu.memref_slice %arg9[%dma_start3A_600, %dma_start3A_601, %dma_start3A_602] : memref<2x256x64xf32, #tpu.memory_space<vmem>> -> memref<1x256x64xf32, #tpu.memory_space<vmem>>
        %dma_start3A_604 = tpu.memref_squeeze %dma_start3A_603 : memref<1x256x64xf32, #tpu.memory_space<vmem>> -> memref<256x64xf32, #tpu.memory_space<vmem>>
        %dma_start3A_605 = arith.constant 160 : i32
        %dma_start3A_606 = arith.constant 0 : i32
        %dma_start3A_607 = tpu.memref_slice %dma_start3A_604[%dma_start3A_605, %dma_start3A_606] : memref<256x64xf32, #tpu.memory_space<vmem>> -> memref<32x64xf32, #tpu.memory_space<vmem>>
        %dma_start3A_608 = arith.constant 0 : i32
        %dma_start3A_609 = tpu.memref_slice %arg8[%dma_start3A_598, %dma_start3A_599, %dma_start3A_608] : memref<2x8x32xi32, #tpu.memory_space<vmem>> -> memref<1x1x32xi32, #tpu.memory_space<vmem>>
        %dma_start3A_610 = tpu.memref_squeeze %dma_start3A_609 : memref<1x1x32xi32, #tpu.memory_space<vmem>> -> memref<32xi32, #tpu.memory_space<vmem>>
        %dma_start3A_611 = arith.constant 0 : i32
        %dma_start3A_612 = arith.constant 0 : i32
        %dma_start3A_613 = tpu.memref_slice %arg3[%dma_start3A_611, %dma_start3A_612] : memref<1000000x64xf32, #tpu.memory_space<hbm>> -> memref<1000000x64xf32, #tpu.memory_space<hbm>>
        tpu.enqueue_indirect_dma source(%dma_start3A_613 : memref<1000000x64xf32, #tpu.memory_space<hbm>>) target(%dma_start3A_607 : memref<32x64xf32, #tpu.memory_space<vmem>>) offsets(%dma_start3A_610 : memref<32xi32, #tpu.memory_space<vmem>>) semaphore(%arg11 : memref<!tpu.dma_semaphore, #tpu.memory_space<semaphore_mem>>)
        %dma_start3A_614 = arith.constant 0 : i32
        %dma_start3A_615 = arith.constant 6 : i32
        %dma_start3A_616 = arith.constant 0 : i32
        %dma_start3A_617 = arith.constant 0 : i32
        %dma_start3A_618 = arith.constant 0 : i32
        %dma_start3A_619 = tpu.memref_slice %arg9[%dma_start3A_616, %dma_start3A_617, %dma_start3A_618] : memref<2x256x64xf32, #tpu.memory_space<vmem>> -> memref<1x256x64xf32, #tpu.memory_space<vmem>>
        %dma_start3A_620 = tpu.memref_squeeze %dma_start3A_619 : memref<1x256x64xf32, #tpu.memory_space<vmem>> -> memref<256x64xf32, #tpu.memory_space<vmem>>
        %dma_start3A_621 = arith.constant 192 : i32
        %dma_start3A_622 = arith.constant 0 : i32
        %dma_start3A_623 = tpu.memref_slice %dma_start3A_620[%dma_start3A_621, %dma_start3A_622] : memref<256x64xf32, #tpu.memory_space<vmem>> -> memref<32x64xf32, #tpu.memory_space<vmem>>
        %dma_start3A_624 = arith.constant 0 : i32
        %dma_start3A_625 = tpu.memref_slice %arg8[%dma_start3A_614, %dma_start3A_615, %dma_start3A_624] : memref<2x8x32xi32, #tpu.memory_space<vmem>> -> memref<1x1x32xi32, #tpu.memory_space<vmem>>
        %dma_start3A_626 = tpu.memref_squeeze %dma_start3A_625 : memref<1x1x32xi32, #tpu.memory_space<vmem>> -> memref<32xi32, #tpu.memory_space<vmem>>
        %dma_start3A_627 = arith.constant 0 : i32
        %dma_start3A_628 = arith.constant 0 : i32
        %dma_start3A_629 = tpu.memref_slice %arg3[%dma_start3A_627, %dma_start3A_628] : memref<1000000x64xf32, #tpu.memory_space<hbm>> -> memref<1000000x64xf32, #tpu.memory_space<hbm>>
        tpu.enqueue_indirect_dma source(%dma_start3A_629 : memref<1000000x64xf32, #tpu.memory_space<hbm>>) target(%dma_start3A_623 : memref<32x64xf32, #tpu.memory_space<vmem>>) offsets(%dma_start3A_626 : memref<32xi32, #tpu.memory_space<vmem>>) semaphore(%arg11 : memref<!tpu.dma_semaphore, #tpu.memory_space<semaphore_mem>>)
        %dma_start3A_630 = arith.constant 0 : i32
        %dma_start3A_631 = arith.constant 7 : i32
        %dma_start3A_632 = arith.constant 0 : i32
        %dma_start3A_633 = arith.constant 0 : i32
        %dma_start3A_634 = arith.constant 0 : i32
        %dma_start3A_635 = tpu.memref_slice %arg9[%dma_start3A_632, %dma_start3A_633, %dma_start3A_634] : memref<2x256x64xf32, #tpu.memory_space<vmem>> -> memref<1x256x64xf32, #tpu.memory_space<vmem>>
        %dma_start3A_636 = tpu.memref_squeeze %dma_start3A_635 : memref<1x256x64xf32, #tpu.memory_space<vmem>> -> memref<256x64xf32, #tpu.memory_space<vmem>>
        %dma_start3A_637 = arith.constant 224 : i32
        %dma_start3A_638 = arith.constant 0 : i32
        %dma_start3A_639 = tpu.memref_slice %dma_start3A_636[%dma_start3A_637, %dma_start3A_638] : memref<256x64xf32, #tpu.memory_space<vmem>> -> memref<32x64xf32, #tpu.memory_space<vmem>>
        %dma_start3A_640 = arith.constant 0 : i32
        %dma_start3A_641 = tpu.memref_slice %arg8[%dma_start3A_630, %dma_start3A_631, %dma_start3A_640] : memref<2x8x32xi32, #tpu.memory_space<vmem>> -> memref<1x1x32xi32, #tpu.memory_space<vmem>>
        %dma_start3A_642 = tpu.memref_squeeze %dma_start3A_641 : memref<1x1x32xi32, #tpu.memory_space<vmem>> -> memref<32xi32, #tpu.memory_space<vmem>>
        %dma_start3A_643 = arith.constant 0 : i32
        %dma_start3A_644 = arith.constant 0 : i32
        %dma_start3A_645 = tpu.memref_slice %arg3[%dma_start3A_643, %dma_start3A_644] : memref<1000000x64xf32, #tpu.memory_space<hbm>> -> memref<1000000x64xf32, #tpu.memory_space<hbm>>
        tpu.enqueue_indirect_dma source(%dma_start3A_645 : memref<1000000x64xf32, #tpu.memory_space<hbm>>) target(%dma_start3A_639 : memref<32x64xf32, #tpu.memory_space<vmem>>) offsets(%dma_start3A_642 : memref<32xi32, #tpu.memory_space<vmem>>) semaphore(%arg11 : memref<!tpu.dma_semaphore, #tpu.memory_space<semaphore_mem>>)
      } else {
      }
      %dma_wait3A_343 = arith.constant 1 : i32
      %dma_wait3A_344 = arith.constant 0 : i32
      %dma_wait3A_345 = arith.constant 1 : i32
      %dma_wait3A_346 = arith.constant 0 : i32
      %dma_wait3A_347 = arith.constant 0 : i32
      %dma_wait3A_348 = tpu.memref_slice %arg9[%dma_wait3A_345, %dma_wait3A_346, %dma_wait3A_347] : memref<2x256x64xf32, #tpu.memory_space<vmem>> -> memref<1x256x64xf32, #tpu.memory_space<vmem>>
      %dma_wait3A_349 = tpu.memref_squeeze %dma_wait3A_348 : memref<1x256x64xf32, #tpu.memory_space<vmem>> -> memref<256x64xf32, #tpu.memory_space<vmem>>
      %dma_wait3A_350 = arith.constant 0 : i32
      %dma_wait3A_351 = arith.constant 0 : i32
      %dma_wait3A_352 = tpu.memref_slice %dma_wait3A_349[%dma_wait3A_350, %dma_wait3A_351] : memref<256x64xf32, #tpu.memory_space<vmem>> -> memref<32x64xf32, #tpu.memory_space<vmem>>
      %dma_wait3A_353 = arith.constant 0 : i32
      %dma_wait3A_354 = tpu.memref_slice %arg8[%dma_wait3A_343, %dma_wait3A_344, %dma_wait3A_353] : memref<2x8x32xi32, #tpu.memory_space<vmem>> -> memref<1x1x32xi32, #tpu.memory_space<vmem>>
      %dma_wait3A_355 = tpu.memref_squeeze %dma_wait3A_354 : memref<1x1x32xi32, #tpu.memory_space<vmem>> -> memref<32xi32, #tpu.memory_space<vmem>>
      %dma_wait3A_356 = arith.constant 0 : i32
      %dma_wait3A_357 = arith.constant 0 : i32
      %dma_wait3A_358 = tpu.memref_slice %arg3[%dma_wait3A_356, %dma_wait3A_357] : memref<1000000x64xf32, #tpu.memory_space<hbm>> -> memref<1000000x64xf32, #tpu.memory_space<hbm>>
      tpu.wait_indirect_dma semaphore(%arg12 : memref<!tpu.dma_semaphore, #tpu.memory_space<semaphore_mem>>) src(%dma_wait3A_358 : memref<1000000x64xf32, #tpu.memory_space<hbm>>) dst(%dma_wait3A_352 : memref<32x64xf32, #tpu.memory_space<vmem>>)
      %dma_wait3A_359 = arith.constant 1 : i32
      %dma_wait3A_360 = arith.constant 1 : i32
      %dma_wait3A_361 = arith.constant 1 : i32
      %dma_wait3A_362 = arith.constant 0 : i32
      %dma_wait3A_363 = arith.constant 0 : i32
      %dma_wait3A_364 = tpu.memref_slice %arg9[%dma_wait3A_361, %dma_wait3A_362, %dma_wait3A_363] : memref<2x256x64xf32, #tpu.memory_space<vmem>> -> memref<1x256x64xf32, #tpu.memory_space<vmem>>
      %dma_wait3A_365 = tpu.memref_squeeze %dma_wait3A_364 : memref<1x256x64xf32, #tpu.memory_space<vmem>> -> memref<256x64xf32, #tpu.memory_space<vmem>>
      %dma_wait3A_366 = arith.constant 32 : i32
      %dma_wait3A_367 = arith.constant 0 : i32
      %dma_wait3A_368 = tpu.memref_slice %dma_wait3A_365[%dma_wait3A_366, %dma_wait3A_367] : memref<256x64xf32, #tpu.memory_space<vmem>> -> memref<32x64xf32, #tpu.memory_space<vmem>>
      %dma_wait3A_369 = arith.constant 0 : i32
      %dma_wait3A_370 = tpu.memref_slice %arg8[%dma_wait3A_359, %dma_wait3A_360, %dma_wait3A_369] : memref<2x8x32xi32, #tpu.memory_space<vmem>> -> memref<1x1x32xi32, #tpu.memory_space<vmem>>
      %dma_wait3A_371 = tpu.memref_squeeze %dma_wait3A_370 : memref<1x1x32xi32, #tpu.memory_space<vmem>> -> memref<32xi32, #tpu.memory_space<vmem>>
      %dma_wait3A_372 = arith.constant 0 : i32
      %dma_wait3A_373 = arith.constant 0 : i32
      %dma_wait3A_374 = tpu.memref_slice %arg3[%dma_wait3A_372, %dma_wait3A_373] : memref<1000000x64xf32, #tpu.memory_space<hbm>> -> memref<1000000x64xf32, #tpu.memory_space<hbm>>
      tpu.wait_indirect_dma semaphore(%arg12 : memref<!tpu.dma_semaphore, #tpu.memory_space<semaphore_mem>>) src(%dma_wait3A_374 : memref<1000000x64xf32, #tpu.memory_space<hbm>>) dst(%dma_wait3A_368 : memref<32x64xf32, #tpu.memory_space<vmem>>)
      %dma_wait3A_375 = arith.constant 1 : i32
      %dma_wait3A_376 = arith.constant 2 : i32
      %dma_wait3A_377 = arith.constant 1 : i32
      %dma_wait3A_378 = arith.constant 0 : i32
      %dma_wait3A_379 = arith.constant 0 : i32
      %dma_wait3A_380 = tpu.memref_slice %arg9[%dma_wait3A_377, %dma_wait3A_378, %dma_wait3A_379] : memref<2x256x64xf32, #tpu.memory_space<vmem>> -> memref<1x256x64xf32, #tpu.memory_space<vmem>>
      %dma_wait3A_381 = tpu.memref_squeeze %dma_wait3A_380 : memref<1x256x64xf32, #tpu.memory_space<vmem>> -> memref<256x64xf32, #tpu.memory_space<vmem>>
      %dma_wait3A_382 = arith.constant 64 : i32
      %dma_wait3A_383 = arith.constant 0 : i32
      %dma_wait3A_384 = tpu.memref_slice %dma_wait3A_381[%dma_wait3A_382, %dma_wait3A_383] : memref<256x64xf32, #tpu.memory_space<vmem>> -> memref<32x64xf32, #tpu.memory_space<vmem>>
      %dma_wait3A_385 = arith.constant 0 : i32
      %dma_wait3A_386 = tpu.memref_slice %arg8[%dma_wait3A_375, %dma_wait3A_376, %dma_wait3A_385] : memref<2x8x32xi32, #tpu.memory_space<vmem>> -> memref<1x1x32xi32, #tpu.memory_space<vmem>>
      %dma_wait3A_387 = tpu.memref_squeeze %dma_wait3A_386 : memref<1x1x32xi32, #tpu.memory_space<vmem>> -> memref<32xi32, #tpu.memory_space<vmem>>
      %dma_wait3A_388 = arith.constant 0 : i32
      %dma_wait3A_389 = arith.constant 0 : i32
      %dma_wait3A_390 = tpu.memref_slice %arg3[%dma_wait3A_388, %dma_wait3A_389] : memref<1000000x64xf32, #tpu.memory_space<hbm>> -> memref<1000000x64xf32, #tpu.memory_space<hbm>>
      tpu.wait_indirect_dma semaphore(%arg12 : memref<!tpu.dma_semaphore, #tpu.memory_space<semaphore_mem>>) src(%dma_wait3A_390 : memref<1000000x64xf32, #tpu.memory_space<hbm>>) dst(%dma_wait3A_384 : memref<32x64xf32, #tpu.memory_space<vmem>>)
      %dma_wait3A_391 = arith.constant 1 : i32
      %dma_wait3A_392 = arith.constant 3 : i32
      %dma_wait3A_393 = arith.constant 1 : i32
      %dma_wait3A_394 = arith.constant 0 : i32
      %dma_wait3A_395 = arith.constant 0 : i32
      %dma_wait3A_396 = tpu.memref_slice %arg9[%dma_wait3A_393, %dma_wait3A_394, %dma_wait3A_395] : memref<2x256x64xf32, #tpu.memory_space<vmem>> -> memref<1x256x64xf32, #tpu.memory_space<vmem>>
      %dma_wait3A_397 = tpu.memref_squeeze %dma_wait3A_396 : memref<1x256x64xf32, #tpu.memory_space<vmem>> -> memref<256x64xf32, #tpu.memory_space<vmem>>
      %dma_wait3A_398 = arith.constant 96 : i32
      %dma_wait3A_399 = arith.constant 0 : i32
      %dma_wait3A_400 = tpu.memref_slice %dma_wait3A_397[%dma_wait3A_398, %dma_wait3A_399] : memref<256x64xf32, #tpu.memory_space<vmem>> -> memref<32x64xf32, #tpu.memory_space<vmem>>
      %dma_wait3A_401 = arith.constant 0 : i32
      %dma_wait3A_402 = tpu.memref_slice %arg8[%dma_wait3A_391, %dma_wait3A_392, %dma_wait3A_401] : memref<2x8x32xi32, #tpu.memory_space<vmem>> -> memref<1x1x32xi32, #tpu.memory_space<vmem>>
      %dma_wait3A_403 = tpu.memref_squeeze %dma_wait3A_402 : memref<1x1x32xi32, #tpu.memory_space<vmem>> -> memref<32xi32, #tpu.memory_space<vmem>>
      %dma_wait3A_404 = arith.constant 0 : i32
      %dma_wait3A_405 = arith.constant 0 : i32
      %dma_wait3A_406 = tpu.memref_slice %arg3[%dma_wait3A_404, %dma_wait3A_405] : memref<1000000x64xf32, #tpu.memory_space<hbm>> -> memref<1000000x64xf32, #tpu.memory_space<hbm>>
      tpu.wait_indirect_dma semaphore(%arg12 : memref<!tpu.dma_semaphore, #tpu.memory_space<semaphore_mem>>) src(%dma_wait3A_406 : memref<1000000x64xf32, #tpu.memory_space<hbm>>) dst(%dma_wait3A_400 : memref<32x64xf32, #tpu.memory_space<vmem>>)
      %dma_wait3A_407 = arith.constant 1 : i32
      %dma_wait3A_408 = arith.constant 4 : i32
      %dma_wait3A_409 = arith.constant 1 : i32
      %dma_wait3A_410 = arith.constant 0 : i32
      %dma_wait3A_411 = arith.constant 0 : i32
      %dma_wait3A_412 = tpu.memref_slice %arg9[%dma_wait3A_409, %dma_wait3A_410, %dma_wait3A_411] : memref<2x256x64xf32, #tpu.memory_space<vmem>> -> memref<1x256x64xf32, #tpu.memory_space<vmem>>
      %dma_wait3A_413 = tpu.memref_squeeze %dma_wait3A_412 : memref<1x256x64xf32, #tpu.memory_space<vmem>> -> memref<256x64xf32, #tpu.memory_space<vmem>>
      %dma_wait3A_414 = arith.constant 128 : i32
      %dma_wait3A_415 = arith.constant 0 : i32
      %dma_wait3A_416 = tpu.memref_slice %dma_wait3A_413[%dma_wait3A_414, %dma_wait3A_415] : memref<256x64xf32, #tpu.memory_space<vmem>> -> memref<32x64xf32, #tpu.memory_space<vmem>>
      %dma_wait3A_417 = arith.constant 0 : i32
      %dma_wait3A_418 = tpu.memref_slice %arg8[%dma_wait3A_407, %dma_wait3A_408, %dma_wait3A_417] : memref<2x8x32xi32, #tpu.memory_space<vmem>> -> memref<1x1x32xi32, #tpu.memory_space<vmem>>
      %dma_wait3A_419 = tpu.memref_squeeze %dma_wait3A_418 : memref<1x1x32xi32, #tpu.memory_space<vmem>> -> memref<32xi32, #tpu.memory_space<vmem>>
      %dma_wait3A_420 = arith.constant 0 : i32
      %dma_wait3A_421 = arith.constant 0 : i32
      %dma_wait3A_422 = tpu.memref_slice %arg3[%dma_wait3A_420, %dma_wait3A_421] : memref<1000000x64xf32, #tpu.memory_space<hbm>> -> memref<1000000x64xf32, #tpu.memory_space<hbm>>
      tpu.wait_indirect_dma semaphore(%arg12 : memref<!tpu.dma_semaphore, #tpu.memory_space<semaphore_mem>>) src(%dma_wait3A_422 : memref<1000000x64xf32, #tpu.memory_space<hbm>>) dst(%dma_wait3A_416 : memref<32x64xf32, #tpu.memory_space<vmem>>)
      %dma_wait3A_423 = arith.constant 1 : i32
      %dma_wait3A_424 = arith.constant 5 : i32
      %dma_wait3A_425 = arith.constant 1 : i32
      %dma_wait3A_426 = arith.constant 0 : i32
      %dma_wait3A_427 = arith.constant 0 : i32
      %dma_wait3A_428 = tpu.memref_slice %arg9[%dma_wait3A_425, %dma_wait3A_426, %dma_wait3A_427] : memref<2x256x64xf32, #tpu.memory_space<vmem>> -> memref<1x256x64xf32, #tpu.memory_space<vmem>>
      %dma_wait3A_429 = tpu.memref_squeeze %dma_wait3A_428 : memref<1x256x64xf32, #tpu.memory_space<vmem>> -> memref<256x64xf32, #tpu.memory_space<vmem>>
      %dma_wait3A_430 = arith.constant 160 : i32
      %dma_wait3A_431 = arith.constant 0 : i32
      %dma_wait3A_432 = tpu.memref_slice %dma_wait3A_429[%dma_wait3A_430, %dma_wait3A_431] : memref<256x64xf32, #tpu.memory_space<vmem>> -> memref<32x64xf32, #tpu.memory_space<vmem>>
      %dma_wait3A_433 = arith.constant 0 : i32
      %dma_wait3A_434 = tpu.memref_slice %arg8[%dma_wait3A_423, %dma_wait3A_424, %dma_wait3A_433] : memref<2x8x32xi32, #tpu.memory_space<vmem>> -> memref<1x1x32xi32, #tpu.memory_space<vmem>>
      %dma_wait3A_435 = tpu.memref_squeeze %dma_wait3A_434 : memref<1x1x32xi32, #tpu.memory_space<vmem>> -> memref<32xi32, #tpu.memory_space<vmem>>
      %dma_wait3A_436 = arith.constant 0 : i32
      %dma_wait3A_437 = arith.constant 0 : i32
      %dma_wait3A_438 = tpu.memref_slice %arg3[%dma_wait3A_436, %dma_wait3A_437] : memref<1000000x64xf32, #tpu.memory_space<hbm>> -> memref<1000000x64xf32, #tpu.memory_space<hbm>>
      tpu.wait_indirect_dma semaphore(%arg12 : memref<!tpu.dma_semaphore, #tpu.memory_space<semaphore_mem>>) src(%dma_wait3A_438 : memref<1000000x64xf32, #tpu.memory_space<hbm>>) dst(%dma_wait3A_432 : memref<32x64xf32, #tpu.memory_space<vmem>>)
      %dma_wait3A_439 = arith.constant 1 : i32
      %dma_wait3A_440 = arith.constant 6 : i32
      %dma_wait3A_441 = arith.constant 1 : i32
      %dma_wait3A_442 = arith.constant 0 : i32
      %dma_wait3A_443 = arith.constant 0 : i32
      %dma_wait3A_444 = tpu.memref_slice %arg9[%dma_wait3A_441, %dma_wait3A_442, %dma_wait3A_443] : memref<2x256x64xf32, #tpu.memory_space<vmem>> -> memref<1x256x64xf32, #tpu.memory_space<vmem>>
      %dma_wait3A_445 = tpu.memref_squeeze %dma_wait3A_444 : memref<1x256x64xf32, #tpu.memory_space<vmem>> -> memref<256x64xf32, #tpu.memory_space<vmem>>
      %dma_wait3A_446 = arith.constant 192 : i32
      %dma_wait3A_447 = arith.constant 0 : i32
      %dma_wait3A_448 = tpu.memref_slice %dma_wait3A_445[%dma_wait3A_446, %dma_wait3A_447] : memref<256x64xf32, #tpu.memory_space<vmem>> -> memref<32x64xf32, #tpu.memory_space<vmem>>
      %dma_wait3A_449 = arith.constant 0 : i32
      %dma_wait3A_450 = tpu.memref_slice %arg8[%dma_wait3A_439, %dma_wait3A_440, %dma_wait3A_449] : memref<2x8x32xi32, #tpu.memory_space<vmem>> -> memref<1x1x32xi32, #tpu.memory_space<vmem>>
      %dma_wait3A_451 = tpu.memref_squeeze %dma_wait3A_450 : memref<1x1x32xi32, #tpu.memory_space<vmem>> -> memref<32xi32, #tpu.memory_space<vmem>>
      %dma_wait3A_452 = arith.constant 0 : i32
      %dma_wait3A_453 = arith.constant 0 : i32
      %dma_wait3A_454 = tpu.memref_slice %arg3[%dma_wait3A_452, %dma_wait3A_453] : memref<1000000x64xf32, #tpu.memory_space<hbm>> -> memref<1000000x64xf32, #tpu.memory_space<hbm>>
      tpu.wait_indirect_dma semaphore(%arg12 : memref<!tpu.dma_semaphore, #tpu.memory_space<semaphore_mem>>) src(%dma_wait3A_454 : memref<1000000x64xf32, #tpu.memory_space<hbm>>) dst(%dma_wait3A_448 : memref<32x64xf32, #tpu.memory_space<vmem>>)
      %dma_wait3A_455 = arith.constant 1 : i32
      %dma_wait3A_456 = arith.constant 7 : i32
      %dma_wait3A_457 = arith.constant 1 : i32
      %dma_wait3A_458 = arith.constant 0 : i32
      %dma_wait3A_459 = arith.constant 0 : i32
      %dma_wait3A_460 = tpu.memref_slice %arg9[%dma_wait3A_457, %dma_wait3A_458, %dma_wait3A_459] : memref<2x256x64xf32, #tpu.memory_space<vmem>> -> memref<1x256x64xf32, #tpu.memory_space<vmem>>
      %dma_wait3A_461 = tpu.memref_squeeze %dma_wait3A_460 : memref<1x256x64xf32, #tpu.memory_space<vmem>> -> memref<256x64xf32, #tpu.memory_space<vmem>>
      %dma_wait3A_462 = arith.constant 224 : i32
      %dma_wait3A_463 = arith.constant 0 : i32
      %dma_wait3A_464 = tpu.memref_slice %dma_wait3A_461[%dma_wait3A_462, %dma_wait3A_463] : memref<256x64xf32, #tpu.memory_space<vmem>> -> memref<32x64xf32, #tpu.memory_space<vmem>>
      %dma_wait3A_465 = arith.constant 0 : i32
      %dma_wait3A_466 = tpu.memref_slice %arg8[%dma_wait3A_455, %dma_wait3A_456, %dma_wait3A_465] : memref<2x8x32xi32, #tpu.memory_space<vmem>> -> memref<1x1x32xi32, #tpu.memory_space<vmem>>
      %dma_wait3A_467 = tpu.memref_squeeze %dma_wait3A_466 : memref<1x1x32xi32, #tpu.memory_space<vmem>> -> memref<32xi32, #tpu.memory_space<vmem>>
      %dma_wait3A_468 = arith.constant 0 : i32
      %dma_wait3A_469 = arith.constant 0 : i32
      %dma_wait3A_470 = tpu.memref_slice %arg3[%dma_wait3A_468, %dma_wait3A_469] : memref<1000000x64xf32, #tpu.memory_space<hbm>> -> memref<1000000x64xf32, #tpu.memory_space<hbm>>
      tpu.wait_indirect_dma semaphore(%arg12 : memref<!tpu.dma_semaphore, #tpu.memory_space<semaphore_mem>>) src(%dma_wait3A_470 : memref<1000000x64xf32, #tpu.memory_space<hbm>>) dst(%dma_wait3A_464 : memref<32x64xf32, #tpu.memory_space<vmem>>)
      %get3A_471 = arith.constant 1 : i32
      %get3A_472 = arith.index_cast %get3A_471 : i32 to index
      %get3A_473 = arith.constant 0 : index
      %get3A_474 = tpu.vector_load %arg10[%get3A_472, %get3A_473] {strides = array<i32>} : memref<2x16xi32, #tpu.memory_space<vmem>>, vector<16xi32>,
      %slice3A_475 = vector.extract_strided_slice %get3A_474 {offsets = [0], sizes = [1], strides = [1]} : vector<16xi32> to vector<1xi32>
      %squeeze3A_476 = vector.extract %slice3A_475[0] : i32 from vector<1xi32>
      %gt3A_477 = arith.constant 0 : i32
      %gt3A_478 = arith.cmpi sgt, %squeeze3A_476, %gt3A_477 : i32
      %convert_element_type3A_479 = arith.extui %gt3A_478 : i1 to i32
      %cond3A_480 = arith.constant 0 : i32
      %cond3A_481 = arith.cmpi ne, %convert_element_type3A_479, %cond3A_480 : i32
      scf.if %cond3A_481 {
        %scan3A_498 = arith.constant 0 : i32
        %scan3A_499 = arith.constant 0 : i32
        %scan3A_500 = arith.constant 16 : i32
        %scan3A_501 = arith.addi %scan3A_499, %scan3A_500 : i32
        %scan3A_502 = arith.constant 1 : i32
        scf.for %scan3A_504 = %scan3A_499 to %scan3A_501 step %scan3A_502  : i32 {
          %mul3A_505 = arith.constant 16 : i32
          %mul3A_506 = arith.muli %scan3A_504, %mul3A_505 : i32
          %get3A_507 = arith.constant 1 : i32
          %get3A_508 = arith.index_cast %get3A_507 : i32 to index
          %get3A_509 = arith.index_cast %mul3A_506 : i32 to index
          %get3A_510 = tpu.vector_load %arg7[%get3A_508, %get3A_509] {strides = array<i32>} : memref<2x256xi32, #tpu.memory_space<vmem>>, vector<16xi32>,
          %ge3A = arith.constant 1000000 : i32
          %ge3A_511 = vector.broadcast %ge3A : i32 to vector<16xi32>
          %ge3A_512 = arith.cmpi sge, %get3A_510, %ge3A_511 : vector<16xi32>
          %all_reduce_population_count3A = tpu.all_reduce %ge3A_512 {dim = 0 : i64, kind = #tpu.reduction_kind<sum>} : vector<16xi1> -> vector<16xi32>
          %slice3A_513 = vector.extract_strided_slice %all_reduce_population_count3A {offsets = [0], sizes = [1], strides = [1]} : vector<16xi32> to vector<1xi32>
          %squeeze3A_514 = vector.extract %slice3A_513[0] : i32 from vector<1xi32>
          %gt3A_515 = arith.constant 0 : i32
          %gt3A_516 = arith.cmpi sgt, %squeeze3A_514, %gt3A_515 : i32
          %convert_element_type3A_517 = arith.extui %gt3A_516 : i1 to i32
          %cond3A_518 = arith.constant 0 : i32
          %cond3A_519 = arith.cmpi ne, %convert_element_type3A_517, %cond3A_518 : i32
          scf.if %cond3A_519 {
            %sub3A = arith.constant 1000000 : i32
            %sub3A_520 = vector.broadcast %sub3A : i32 to vector<16xi32>
            %sub3A_521 = arith.subi %get3A_510, %sub3A_520 : vector<16xi32>
            %jit3A = arith.constant 0 : i32
            %broadcast_in_dim3A_522 = vector.broadcast %jit3A : i32 to vector<16xi32>
            %select_n3A = arith.select %ge3A_512, %sub3A_521, %broadcast_in_dim3A_522 : vector<16xi1>, vector<16xi32>
            %mul3A_523 = arith.constant 16 : i32
            %mul3A_524 = arith.muli %scan3A_504, %mul3A_523 : i32
            %add3A_525 = vector.broadcast %mul3A_524 : i32 to vector<16xi32>
            %add3A_526 = arith.addi %add3A_525, %iota3A : vector<16xi32>
            %scan3A_527 = arith.constant 0 : i32
            %scan3A_528 = arith.constant 0 : i32
            %scan3A_529 = arith.constant 64 : i32
            %scan3A_530 = arith.addi %scan3A_528, %scan3A_529 : i32
            %scan3A_531 = arith.constant 1 : i32
            scf.for %scan3A_533 = %scan3A_528 to %scan3A_530 step %scan3A_531  : i32 {
              %broadcast_in_dim3A_534 = vector.broadcast %scan3A_533 : i32 to vector<16xi32>
              %gather3A = tpu.vector_load_idx %arg6[%select_n3A, %broadcast_in_dim3A_534] masked %ge3A_512 : memref<1000x64xf32, #tpu.memory_space<vmem>>[vector<16xi32>, vector<16xi32>], vector<16xf32>, vector<16xi1>
              %scatter3A = arith.constant 1 : i32
              %scatter3A_535 = arith.constant 0 : i32
              %scatter3A_536 = arith.constant 0 : i32
              %scatter3A_537 = tpu.memref_slice %arg9[%scatter3A, %scatter3A_535, %scatter3A_536] : memref<2x256x64xf32, #tpu.memory_space<vmem>> -> memref<1x256x64xf32, #tpu.memory_space<vmem>>
              %scatter3A_538 = tpu.memref_squeeze %scatter3A_537 : memref<1x256x64xf32, #tpu.memory_space<vmem>> -> memref<256x64xf32, #tpu.memory_space<vmem>>
              tpu.vector_store_idx %scatter3A_538[%add3A_526, %broadcast_in_dim3A_534], %gather3A masked %ge3A_512 : memref<256x64xf32, #tpu.memory_space<vmem>>[vector<16xi32>, vector<16xi32>], vector<16xf32>, vector<16xi1>
            }
            %scan3A_532 = arith.constant 64 : i32
          } else {
          }
        }
        %scan3A_503 = arith.constant 16 : i32
      } else {
      }
      %mul3A_482 = arith.constant 256 : i32
      %mul3A_483 = arith.muli %add3A_335, %mul3A_482 : i32
      %add3A_484 = arith.addi %mul3A_2, %mul3A_483 : i32
      %dma_start3A_485 = arith.constant 1 : i32
      %dma_start3A_486 = arith.constant 0 : i32
      %dma_start3A_487 = arith.constant 0 : i32
      %dma_start3A_488 = tpu.memref_slice %arg9[%dma_start3A_485, %dma_start3A_486, %dma_start3A_487] : memref<2x256x64xf32, #tpu.memory_space<vmem>> -> memref<1x256x64xf32, #tpu.memory_space<vmem>>
      %dma_start3A_489 = tpu.memref_squeeze %dma_start3A_488 : memref<1x256x64xf32, #tpu.memory_space<vmem>> -> memref<256x64xf32, #tpu.memory_space<vmem>>
      %dma_start3A_490 = arith.constant 0 : i32
      %dma_start3A_491 = tpu.memref_slice %arg5[%add3A_484, %dma_start3A_490] : memref<819200x64xf32, #tpu.memory_space<hbm>> -> memref<256x64xf32, #tpu.memory_space<hbm>>
      %dma_start3A_492 = arith.constant 0 : i32
      %dma_start3A_493 = tpu.memref_slice %arg5[%add3A_484, %dma_start3A_492] : memref<819200x64xf32, #tpu.memory_space<hbm>> -> memref<256x64xf32, #tpu.memory_space<hbm>>
      %dma_start3A_494 = arith.constant 0 : i32
      %dma_start3A_495 = arith.constant 0 : i32
      %dma_start3A_496 = tpu.memref_slice %arg9[%dma_start3A_485, %dma_start3A_494, %dma_start3A_495] : memref<2x256x64xf32, #tpu.memory_space<vmem>> -> memref<1x256x64xf32, #tpu.memory_space<vmem>>
      %dma_start3A_497 = tpu.memref_squeeze %dma_start3A_496 : memref<1x256x64xf32, #tpu.memory_space<vmem>> -> memref<256x64xf32, #tpu.memory_space<vmem>>
      tpu.enqueue_dma source(%dma_start3A_497 : memref<256x64xf32, #tpu.memory_space<vmem>>) target(%dma_start3A_493 : memref<256x64xf32, #tpu.memory_space<hbm>>) target_semaphore(%arg14 : memref<!tpu.dma_semaphore, #tpu.memory_space<semaphore_mem>>)
    }
    %scan3A_146 = arith.constant 50 : i32
    %dma_wait3A = arith.constant 0 : i32
    %dma_wait3A_147 = arith.constant 0 : i32
    %dma_wait3A_148 = arith.constant 0 : i32
    %dma_wait3A_149 = tpu.memref_slice %arg9[%dma_wait3A, %dma_wait3A_147, %dma_wait3A_148] : memref<2x256x64xf32, #tpu.memory_space<vmem>> -> memref<1x256x64xf32, #tpu.memory_space<vmem>>
    %dma_wait3A_150 = tpu.memref_squeeze %dma_wait3A_149 : memref<1x256x64xf32, #tpu.memory_space<vmem>> -> memref<256x64xf32, #tpu.memory_space<vmem>>
    %dma_wait3A_151 = arith.constant 0 : i32
    %dma_wait3A_152 = tpu.memref_slice %arg5[%mul3A_2, %dma_wait3A_151] : memref<819200x64xf32, #tpu.memory_space<hbm>> -> memref<256x64xf32, #tpu.memory_space<hbm>>
    %dma_wait3A_153 = arith.constant 0 : i32
    %dma_wait3A_154 = tpu.memref_slice %arg5[%mul3A_2, %dma_wait3A_153] : memref<819200x64xf32, #tpu.memory_space<hbm>> -> memref<256x64xf32, #tpu.memory_space<hbm>>
    %dma_wait3A_155 = arith.constant 0 : i32
    %dma_wait3A_156 = arith.constant 0 : i32
    %dma_wait3A_157 = tpu.memref_slice %arg9[%dma_wait3A, %dma_wait3A_155, %dma_wait3A_156] : memref<2x256x64xf32, #tpu.memory_space<vmem>> -> memref<1x256x64xf32, #tpu.memory_space<vmem>>
    %dma_wait3A_158 = tpu.memref_squeeze %dma_wait3A_157 : memref<1x256x64xf32, #tpu.memory_space<vmem>> -> memref<256x64xf32, #tpu.memory_space<vmem>>
    tpu.wait_dma2 semaphore(%arg13 : memref<!tpu.dma_semaphore, #tpu.memory_space<semaphore_mem>>) src(%dma_wait3A_158 : memref<256x64xf32, #tpu.memory_space<vmem>>) dst(%dma_wait3A_154 : memref<256x64xf32, #tpu.memory_space<hbm>>)
    %dma_wait3A_159 = arith.constant 1 : i32
    %dma_wait3A_160 = arith.constant 0 : i32
    %dma_wait3A_161 = arith.constant 0 : i32
    %dma_wait3A_162 = tpu.memref_slice %arg9[%dma_wait3A_159, %dma_wait3A_160, %dma_wait3A_161] : memref<2x256x64xf32, #tpu.memory_space<vmem>> -> memref<1x256x64xf32, #tpu.memory_space<vmem>>
    %dma_wait3A_163 = tpu.memref_squeeze %dma_wait3A_162 : memref<1x256x64xf32, #tpu.memory_space<vmem>> -> memref<256x64xf32, #tpu.memory_space<vmem>>
    %dma_wait3A_164 = arith.constant 0 : i32
    %dma_wait3A_165 = tpu.memref_slice %arg5[%mul3A_2, %dma_wait3A_164] : memref<819200x64xf32, #tpu.memory_space<hbm>> -> memref<256x64xf32, #tpu.memory_space<hbm>>
    %dma_wait3A_166 = arith.constant 0 : i32
    %dma_wait3A_167 = tpu.memref_slice %arg5[%mul3A_2, %dma_wait3A_166] : memref<819200x64xf32, #tpu.memory_space<hbm>> -> memref<256x64xf32, #tpu.memory_space<hbm>>
    %dma_wait3A_168 = arith.constant 0 : i32
    %dma_wait3A_169 = arith.constant 0 : i32
    %dma_wait3A_170 = tpu.memref_slice %arg9[%dma_wait3A_159, %dma_wait3A_168, %dma_wait3A_169] : memref<2x256x64xf32, #tpu.memory_space<vmem>> -> memref<1x256x64xf32, #tpu.memory_space<vmem>>
    %dma_wait3A_171 = tpu.memref_squeeze %dma_wait3A_170 : memref<1x256x64xf32, #tpu.memory_space<vmem>> -> memref<256x64xf32, #tpu.memory_space<vmem>>
    tpu.wait_dma2 semaphore(%arg14 : memref<!tpu.dma_semaphore, #tpu.memory_space<semaphore_mem>>) src(%dma_wait3A_171 : memref<256x64xf32, #tpu.memory_space<vmem>>) dst(%dma_wait3A_167 : memref<256x64xf32, #tpu.memory_space<hbm>>)
    return
  }
}

</mosaic_0001>

<sc_bundles>
// kernel: kernel.3.cloned.1.call-start
scs
__scs_entry_jumppad:
0x0: {  	(pc) =	sbr.rel $0x88, $3  }
0x1: {  	(tag) =	ssettag $0x0;
	lr =	simm.s32 $0x1  }
0x2: {  	[smem:$0x3F9E] =	sst lr;
	_ =	strace $0xD0000000  }
0x3: {  	_ = 	snop  }
0x4: {  	_ = 	snop  }
0x5: {  	_ = 	snop  }
0x6: {  	_ = 	snop  }
0x7: {  	_ = 	snop  }
__scs_overlays_trampoline_lowered:
0x8: {  	[smem:$0x3FAD] =	sst s0  }
0x9: {  	[smem:$0x3FAE] =	sst s1  }
0xa: {  	[smem:$0x3FAF] =	sst s2  }
0xb: {  	[smem:$0x3FB0] =	sst s3  }
0xc: {  	[smem:$0x3FB1] =	sst s4  }
0xd: {  	[smem:$0x3FB2] =	sst s5  }
0xe: {  	[smem:$0x3FB3] =	sst s6  }
0xf: {  	[smem:$0x3FB4] =	sst s7  }
0x10: {  	[smem:$0x3FB5] =	sst s8  }
0x11: {  	[smem:$0x3FB6] =	sst s9;
	s0 =	simm.s32 @!p0 $0x0  }
0x12: {  	s1 =	sld [smem:$0x3F9C];
	s0 =	simm.s32 @p0 $0x1  }
0x13: {  	[smem:$0x3FB7] =	sst s0;
	s0 =	simm.s32 @!p1 $0x0  }
0x14: {  	s2 =	sld [smem:$0x3F9B];
	s0 =	simm.s32 @p1 $0x1  }
0x15: {  	[smem:$0x3FB8] =	sst s0;
	s0 =	simm.s32 @!p2 $0x0  }
0x16: {  	s3 =	sld [smem:$0x3FDB];
	s0 =	simm.s32 @p2 $0x1  }
0x17: {  	s4 =	simm.s32 $0x1BF5;
	[smem:$0x3FBA] =	sst s0  }
0x18: {  	s0 =	sld [smem:$0x3F9D];
	_ =	swait.ge [sflag:s4], $0x0  }
0x19: {  	s7 =	sld [smem:$0x3F9E]  }
0x1a: {  	s8 =	sadd.s32 $0xFFFFE003, lr  }
0x1b: {  	s9 =	sadd.s32 $0xFFFFFEF7, lr;
	s5 =	simm.s32 $0xFFFFFFFF;
	p2 =	slt.u32 s8, $0xFFFFF086  }
0x1c: {  	p1 =	slt.u32 s9, $0xF7A;
	s5 =	simm.s32 @!p2 $0x0  }
0x1d: {  	s5 =	simm.s32 @p1 $0x1;
	p0 =	seq.s32 s7, s2  }
0x1e: {  	s7 =	smul.u32 @!p0 $0xF7A, s2;
	p2 =	seq.s32 @!p0 s5, $0x0  }
0x1f: {  	s9 =	smul.u32 $0xF7A, s1;
	s8 =	simm.s32 @!p0 $0x1BF5;
	p2 =	por !p2, p0  }
0x20: {  	[sflag:s8] =	ssyncset.s32 @!p0 $0xFFFFF086;
	s6 =	sadd.s32 @!p0 s3, s7;
	s7 =	simm.s32 @!p0 $0x108  }
0x21: {  	s3 =	sadd.s32 s3, s9;
	s6 =	sadd.s32 @!p0 $0x88, s6;
	s7 =	simm.s32 @p2 $0x1082  }
0x22: {  	[simem:s7], [sflag:s8] =	dma.local @!p0 [hbm:s6], $0xF7A  }
0x23: {  	s9 =	sor.u32 $0xD0000000, s2;
	s6 =	simm.s32 $0x108;
	_ =	swait.ge @!p0 [sflag:s8], $0x0  }
0x24: {  	s3 =	sadd.s32 $0x88, s3;
	s6 =	simm.s32 @!p1 $0x1082;
	[sflag:s4] =	ssyncset.s32 $0xFFFFF086  }
0x25: {  	[simem:s6], [sflag:s4] =	dma.local [hbm:s3], $0xF7A  }
0x26: {  	[smem:$0x3F9E] =	sst s1;
	(tag) =	ssettag s2;
	_ =	strace s9  }
0x27: {  	s1 =	sld [smem:$0x3FAE]  }
0x28: {  	s2 =	sld [smem:$0x3FAF]  }
0x29: {  	s4 =	sld [smem:$0x3FB1]  }
0x2a: {  	p0 =	seq.s32 s5, $0x0;
	s5 =	sld [smem:$0x3FB2]  }
0x2b: {  	s6 =	sld [smem:$0x3FB3]  }
0x2c: {  	s7 =	sld [smem:$0x3FB4]  }
0x2d: {  	s3 =	simm.s32 $0x108;
	s8 =	sld [smem:$0x3FB5]  }
0x2e: {  	s3 =	simm.s32 @!p0 $0x1082;
	s9 =	sld [smem:$0x3FB6]  }
0x2f: {  	lr =	sadd.s32 s0, s3;
	s0 =	sld [smem:$0x3FAD]  }
0x30: {  	s3 =	sld [smem:$0x3FB0]  }
0x31: {  	[smem:$0x3FB9] =	sst s10  }
0x32: {  	s10 =	sld [smem:$0x3FB7];
	_ =	sdelay $0x3  }
0x33: {  	p0 =	seq.s32 s10, $0x1;
	s10 =	sld [smem:$0x3FB9];
	_ =	sdelay $0x3  }
0x34: {  	[smem:$0x3FB9] =	sst s10  }
0x35: {  	s10 =	sld [smem:$0x3FB8];
	_ =	sdelay $0x3  }
0x36: {  	p1 =	seq.s32 s10, $0x1;
	s10 =	sld [smem:$0x3FB9];
	_ =	sdelay $0x3  }
0x37: {  	[smem:$0x3FB9] =	sst s10  }
0x38: {  	s10 =	sld [smem:$0x3FBA]  }
0x39: {  	_ = 	snop;
	(pc) =	sbr.ind lr, $3  }
0x3a: {  	_ = 	snop  }
0x3b: {  	_ = 	snop  }
0x3c: {  	p2 =	seq.s32 s10, $0x1;
	s10 =	sld [smem:$0x3FB9]  }
0x3d: {  	_ =	shalt  }
0x3e: {  	_ =	shalt  }
0x3f: {  	_ =	shalt  }
0x40: {  	_ =	shalt  }
0x41: {  	_ =	shalt  }
0x42: {  	_ =	shalt  }
0x43: {  	_ =	shalt  }
0x44: {  	_ =	shalt  }
0x45: {  	_ =	shalt  }
0x46: {  	_ =	shalt  }
0x47: {  	_ =	shalt  }
0x48: {  	_ =	shalt  }
0x49: {  	_ =	shalt  }
0x4a: {  	_ =	shalt  }
0x4b: {  	_ =	shalt  }
0x4c: {  	_ =	shalt  }
0x4d: {  	_ =	shalt  }
0x4e: {  	_ =	shalt  }
0x4f: {  	_ =	shalt  }
0x50: {  	_ =	shalt  }
0x51: {  	_ =	shalt  }
0x52: {  	_ =	shalt  }
0x53: {  	_ =	shalt  }
0x54: {  	_ =	shalt  }
0x55: {  	_ =	shalt  }
0x56: {  	_ =	shalt  }
0x57: {  	_ =	shalt  }
0x58: {  	_ =	shalt  }
0x59: {  	_ =	shalt  }
0x5a: {  	_ =	shalt  }
0x5b: {  	_ =	shalt  }
0x5c: {  	_ =	shalt  }
0x5d: {  	_ =	shalt  }
0x5e: {  	_ =	shalt  }
0x5f: {  	_ =	shalt  }
0x60: {  	_ =	shalt  }
0x61: {  	_ =	shalt  }
0x62: {  	_ =	shalt  }
0x63: {  	_ =	shalt  }
0x64: {  	_ =	shalt  }
0x65: {  	_ =	shalt  }
0x66: {  	_ =	shalt  }
0x67: {  	_ =	shalt  }
0x68: {  	_ =	shalt  }
0x69: {  	_ =	shalt  }
0x6a: {  	_ =	shalt  }
0x6b: {  	_ =	shalt  }
0x6c: {  	_ =	shalt  }
0x6d: {  	_ =	shalt  }
0x6e: {  	_ =	shalt  }
0x6f: {  	_ =	shalt  }
0x70: {  	_ =	shalt  }
0x71: {  	_ =	shalt  }
0x72: {  	_ =	shalt  }
0x73: {  	_ =	shalt  }
0x74: {  	_ =	shalt  }
0x75: {  	_ =	shalt  }
0x76: {  	_ =	shalt  }
0x77: {  	_ =	shalt  }
0x78: {  	_ =	shalt  }
0x79: {  	_ =	shalt  }
0x7a: {  	_ =	shalt  }
0x7b: {  	_ =	shalt  }
0x7c: {  	_ =	shalt  }
0x7d: {  	_ =	shalt  }
0x7e: {  	_ =	shalt  }
0x7f: {  	_ =	shalt  }
0x80: {  	_ =	shalt  }
0x81: {  	_ =	shalt  }
0x82: {  	_ =	shalt  }
0x83: {  	_ =	shalt  }
0x84: {  	_ =	shalt  }
0x85: {  	_ =	shalt  }
0x86: {  	_ =	shalt  }
0x87: {  	_ =	shalt  }
.Lfunc_end0:
.L_simem_size_0:
called_computation.1_lowered:
.L_overlay_start_0:
0x88: {  	s2 =	sld [smem:$0x3FD9]  }
0x89: {  	s3 =	sld [smem:$0x3FFE];
	_ =	sdelay $0x1  }
0x8a: {  	s1 =	srdreg.scid  }
0x8b: {  	s0 =	sand.u32 $0x1, s1  }
0x8c: {  	s17 =	sshll.u32 s0, $0xA;
	s2 =	sadd.s32 s3, s2  }
0x8d: {  	s2 =	sadd.s32 s2, s17  }
0x8e: {  	[smem:$0x3FC5] =	sst s2  }
0x8f: {  	_ = 	snop  }
0x90: {  	s2 =	sld [smem:$0x3FD0];
	(tm) =	ssettm $0x1  }
0x91: {  	s18 =	sld [smem:$0x3FFB];
	_ =	sdelay $0x3  }
0x92: {  	_ =	strace s18  }
0x93: {  	s3 =	sld [smem:$0x3FFC];
	_ =	sdelay $0x3  }
0x94: {  	_ =	strace s3  }
0x95: {  	s3 =	sld [smem:$0x3FFD];
	_ =	sdelay $0x3  }
0x96: {  	_ =	strace s3  }
0x97: {  	_ =	strace $0x8FFFFFFF  }
0x98: {  	s19 =	sld [smem:$0x3FDB];
	_ =	sdelay $0x1  }
0x99: {  	s4 =	simm.s32 $_scs_section_size  }
0x9a: {  	s5 =	simm.s32 $_size__tile_overlayer_lowered;
	s6 =	simm.s32 $_tile_overlayer_lowered  }
0x9b: {  	s22 =	simm.s32 $0x1BFF;
	s21 =	sshll.u32 s6, $0x1;
	s3 =	sadd.s32 s4, s19  }
0x9c: {  	s7 =	simm.s32 $0x0;
	s20 =	sshll.u32 s5, $0x1;
	s5 =	sadd.s32 s21, s3  }
0x9d: {  	[timem:s7], [sflag:s22] =	dma.local [hbm:s5], s20  }
0x9e: {  	_ =	swait.ge [sflag:s22], s20  }
0x9f: {  	s4 =	ssub.s32 $0x0, s20;
	[sflag:s22] =	ssyncset.done $0x0  }
0xa0: {  	[sflag:s22] =	ssyncadd.s32 s4;
	_ =	sdelay $0x1  }
0xa1: {  	s23 =	simm.s32 $0x1B8B  }
0xa2: {  	_ =	swait.ge [sflag:s23], $0x1  }
0xa3: {  	[sflag:s23] =	ssyncset.done $0x0  }
0xa4: {  	s25 =	simm.s32 $0x1B8E;
	s24 =	sld [smem:$0x3FFE];
	[sflag:s23] =	ssyncadd.s32 $0xFFFFFFFF  }
0xa5: {  	s26 =	simm.s32 $execute0_lowered;
	[smem:$0x3FD2] =	sst s25  }
0xa6: {  	s5 =	sshll.u32 s26, $0x1;
	_ =	strace $0x80000046;
	[dreg:$0x1] =	wrdreg $0xFFFFFFFF  }
0xa7: {  	s28 =	simm.s32 $_size_execute0_lowered;
	s3 =	sadd.s32 s3, s5;
	[dreg:$0x0] =	wrdreg $0x0  }
0xa8: {  	s5 =	sshll.u32 s28, $0x1;
	[dreg:$0x2] =	wrdreg s3  }
0xa9: {  	[dreg:$0x3] =	wrdreg s5  }
0xaa: {  	[dreg:$0x4] =	wrdreg $0xC0  }
0xab: {  	_ =	task [dreg:s7], $0x5FFFF  }
0xac: {  	[dreg:$0x1] =	wrdreg $0xFFFFFFFF  }
0xad: {  	[dreg:$0x0] =	wrdreg $0x60  }
0xae: {  	[dreg:$0x2] =	wrdreg s24  }
0xaf: {  	[dreg:$0x3] =	wrdreg s2  }
0xb0: {  	[dreg:$0x4] =	wrdreg $0x9  }
0xb1: {  	_ =	task.clear_ibuf [dreg:s7], $0x5FFFF;
	_ =	strace $0x90000046  }
0xb2: {  	s29 =	simm.s32 $0x9;
	_ =	strace $0x80000048  }
0xb3: {  	_ =	swait.ge [sflag:s29], $0x1  }
0xb4: {  	[sflag:s29] =	ssyncadd.s32 $0xFFFFFFFF  }
0xb5: {  	_ =	strace $0x90000048  }
0xb6: {  	_ =	sfence  }
0xb7: {  	s30 =	sld [smem:$0x0];
	_ =	sdelay $0x2  }
0xb8: {  	s31 =	sshll.u32 s1, $0xD;
	s1 =	sshrl.u32 s1, $0x2  }
0xb9: {  	s3 =	sand.u32 $0x4000, s31;
	s1 =	sadd.s32 s1, s30  }
0xba: {  	s0 =	sor.u32 s3, s0;
	s1 =	sshll.u32 s1, $0x11  }
0xbb: {  	s0 =	sor.u32 s1, s0  }
0xbc: {  	s0 =	sadd.s32 $0x8F2B, s0  }
0xbd: {  	[sflag:s0] =	ssyncadd.remote.s32 $0x1  }
0xbe: {  	_ =	sfence.sel $0xFFFF  }
0xbf: {  	[dreg:$0x0] =	wrdreg $0xFFFFFFFF;
	(pc) =	sbr.abs _section_cstart, $3  }
0xc0: {  	[dreg:$0x1] =	wrdreg $0xFFFFFFFF  }
0xc1: {  	_ =	task.clear_ibuf [dreg:s7], $0x2FFFF;
	_ =	strace $0x9FFFFFFF  }
0xc2: {  	(tm) =	ssettm $0x7FFFFFFF  }
0xc3: {  	_ =	shalt  }
tec
execute0_lowered:
.L_overlay_start_1:
0x0: {  	(tag) =	ssettag $0x1  }
0x1: {  	s0 =	rddreg [dreg:$0x0]  }
0x2: {  	s2 =	rddreg [dreg:$0x1];
	s1 =	srdreg.scid  }
0x3: {  	s4 =	stileid.u32;
	s3 =	simm.s32 $0x0;
	s12 =	simm.s32 $0x5  }
0x4: {  	s14 =	simm.s32 $0x17E00;
	s15 =	simm.s32 $0x20;
	s17 =	simm.s32 $0xFE00  }
0x5: {  	s11 =	simm.s32 $0x13E00;
	s22 =	simm.s32 $0xFD80;
	s23 =	simm.s32 $0x15E00  }
0x6: {  	s28 =	simm.s32 $0x16E00;
	s29 =	simm.s32 $0xFDE0;
	s30 =	simm.s32 $0x17600  }
0x7: {  	s31 =	simm.s32 $0x1;
	s10 =	simm.s32 $0x3;
	s13 =	simm.s32 $0x0  }
0x8: {  	s1 =	sand.u32 $0x1, s1;
	s4 =	sshll.u32 s4, $0x1;
	[smem:$0x7FF] =	sst s3  }
0x9: {  	s5 =	sadd.s32 $0xC00, s0;
	s6 =	sadd.s32 $0xF43000, s0;
	s7 =	sor.u32 s1, s4  }
0xa: {  	s0 =	sadd.s32 $0x19C00, s0;
	_ =	strace $0x80000047;
	s4 =	smul.u32 $0x6400, s7  }
0xb: {  	s1 =	ssub.s32 $0x2, s1;
	[dreg:$0x3] =	wrdreg s0;
	s9 =	smul.u32 $0x190000, s7  }
.Ltmp0:
0xc: {  	s24 =	sshrl.u32 s1, $0x1;
	s7 =	simm.s32 $0x17E10;
	(pc) =	sbr.rel .LBB2_1-.Ltmp0, $4  }
0xd: {  	s0 =	ssub.s32 s1, s24;
	s24 =	simm.s32 $0xFDA0;
	s26 =	sor.u32 $0x200, s4  }
0xe: {  	s8 =	sshrl.u32 s4, $0x3;
	s0 =	smax.u32 s0, $0x1;
	[dreg:$0x5] =	wrdreg s26  }
0xf: {  	v2 =	vlaneseq.u32;
	s25 =	sadd.s32 s5, s8;
	[dreg:$0x6] =	wrdreg s0;
	s26 =	simm.s32 $0xFDC0  }
0x10: {  	v0 =	vimm.s32 $0x0;
	v1 =	vimm.s32 $0x1;
	v2 =	vmul.u32 $0x40, v2;
	s0 =	simm.s32 $0x2;
	[dreg:$0x4] =	wrdreg s25;
	s25 =	simm.s32 $0x16600  }
.LBB2_23:
0x11: {  	_ =	swait.ge [sflag:s10], $0x4000  }
0x12: {  	[sflag:s10] =	ssyncset.done $0x0  }
0x13: {  	s8 =	simm.s32 $0x4;
	[sflag:s10] =	ssyncadd.s32 $0xFFFFC000  }
0x14: {  	_ =	swait.ge [sflag:s8], $0x4000  }
0x15: {  	s13 =	rddreg [dreg:$0x7]  }
0x16: {  	s1 =	rddreg [dreg:$0x6];
	s13 =	sadd.s32 $0x1, s13  }
0x17: {  	p0 =	sne.s32 s13, s1  }
.Ltmp1:
0x18: {  	_ = 	snop;
	(pc) =	sbr.rel @!p0 .LBB2_24-.Ltmp1, $3  }
0x19: {  	_ =	sdelay $0x1  }
0x1a: {  	[sflag:s8] =	ssyncset.done $0x0  }
0x1b: {  	[sflag:s8] =	ssyncadd.s32 $0xFFFFC000  }
.LBB2_1:
0x1c: {  	[dreg:$0x7] =	wrdreg s13  }
0x1d: {  	s1 =	rddreg [dreg:$0x3]  }
0x1e: {  	[tilespmem:s3], [sflag:$0x5] =	stream.linear.gather [hbm4b:s1+s3], $0xFA00, $0x38;
	[tilespmem:$0x17E20] =	vst v63  }
0x1f: {  	_ =	swait.ge [sflag:s12], $0xFA00  }
0x20: {  	[sflag:s12] =	ssyncset.done $0x0  }
0x21: {  	s8 =	simm.s32 $0xFA00;
	s21 =	rddreg [dreg:$0x4];
	[sflag:s12] =	ssyncadd.s32 $0xFFFF0600  }
0x22: {  	[tilespmem:s8], [sflag:$0x5] =	stream.linear.gather [hbm4b:s21+s3], $0x100, $0x38;
	[tilespmem:$0x17E20] =	vst v63  }
0x23: {  	_ =	swait.ge [sflag:s12], $0x100  }
0x24: {  	[sflag:s12] =	ssyncset.done $0x0  }
0x25: {  	s16 =	simm.s32 $0x0;
	[sflag:s12] =	ssyncadd.s32 $0xFFFFFF00  }
0x26: {  	s13 =	simm.s32 $0x10;
	s1 =	simm.s32 $0x0;
	s8 =	simm.s32 $0x0;
	[tilespmem:$0x17E00] =	vst v0  }
.LBB2_2:
0x27: {  	p0 =	sne.s32 s13, $0xF0;
	v3 =	vld [tilespmem:s16+$0xFA00];
	_ =	sdelay $0x4  }
0x28: {  	vm0 =	vgt.s32 v3, $0xF423F;
	_ =	sdelay $0x1  }
.Ltmp2:
0x29: {  	s16 =	sand.u32 $0x380, s1;
	(pc) =	sbr.rel @p0 .LBB2_2-.Ltmp2, $4  }
0x2a: {  	s18 =	sand.u32 $0x10, s8;
	s8 =	smov.u32 s13;
	s16 =	sshrl.u32 s16, $0x2  }
0x2b: {  	s16 =	sor.u32 s18, s16;
	v3 =	vsel vm0, $0x0, v3  }
0x2c: {  	s1 =	sadd.s32 $0x40, s1;
	[tilespmem:s16+$0xFC00] =	vst v3  }
0x2d: {  	s13 =	sadd.s32 $0x10, s13;
	s16 =	sshra.s32 s1, $0x2;
	[tilespmem:v0+s14+$0x0] =	vst.idx.msk vm0, v1  }
0x2e: {  	v3 =	vld [tilespmem:s16+$0xFA00];
	_ =	sdelay $0x4  }
0x2f: {  	vm0 =	vgt.s32 v3, $0xF423F;
	_ =	sdelay $0x1  }
0x30: {  	s1 =	sand.u32 $0x380, s1  }
0x31: {  	s8 =	sand.u32 $0x10, s8;
	s1 =	sshrl.u32 s1, $0x2  }
0x32: {  	s1 =	sor.u32 s8, s1;
	v3 =	vsel vm0, $0x0, v3  }
0x33: {  	[tilespmem:s1+$0xFC00] =	vst v3  }
0x34: {  	s19 =	simm.s32 $0xFC00;
	[tilespmem:v0+s14+$0x0] =	vst.idx.msk vm0, v1  }
0x35: {  	[tilespmem:s17], [sflag:$0x1] =	stream.indirect.gather [hbm4b:s6+s15], $0x40, s19, s15, $0xb8;
	[tilespmem:$0x17E20] =	vst v63  }
0x36: {  	s20 =	simm.s32 $0xFC20;
	s21 =	simm.s32 $0x10600  }
0x37: {  	[tilespmem:s21], [sflag:$0x1] =	stream.indirect.gather [hbm4b:s6+s15], $0x40, s20, s15, $0xb8;
	[tilespmem:$0x17E20] =	vst v63  }
0x38: {  	s13 =	simm.s32 $0xFC40;
	s16 =	simm.s32 $0x10E00  }
0x39: {  	[tilespmem:s16], [sflag:$0x1] =	stream.indirect.gather [hbm4b:s6+s15], $0x40, s13, s15, $0xb8;
	[tilespmem:$0x17E20] =	vst v63  }
0x3a: {  	s18 =	simm.s32 $0xFC60;
	s19 =	simm.s32 $0x11600  }
0x3b: {  	[tilespmem:s19], [sflag:$0x1] =	stream.indirect.gather [hbm4b:s6+s15], $0x40, s18, s15, $0xb8;
	[tilespmem:$0x17E20] =	vst v63  }
0x3c: {  	s20 =	simm.s32 $0xFC80;
	s21 =	simm.s32 $0x11E00  }
0x3d: {  	[tilespmem:s21], [sflag:$0x1] =	stream.indirect.gather [hbm4b:s6+s15], $0x40, s20, s15, $0xb8;
	[tilespmem:$0x17E20] =	vst v63  }
0x3e: {  	s13 =	simm.s32 $0xFCA0;
	s16 =	simm.s32 $0x12600  }
0x3f: {  	[tilespmem:s16], [sflag:$0x1] =	stream.indirect.gather [hbm4b:s6+s15], $0x40, s13, s15, $0xb8;
	[tilespmem:$0x17E20] =	vst v63  }
.Ltmp3:
0x40: {  	_ = 	snop;
	(pc) =	sbr.rel .LBB2_4-.Ltmp3, $4  }
0x41: {  	s8 =	simm.s32 $0x0;
	s18 =	simm.s32 $0xFCC0;
	s19 =	simm.s32 $0x12E00  }
0x42: {  	[tilespmem:s19], [sflag:$0x1] =	stream.indirect.gather [hbm4b:s6+s15], $0x40, s18, s15, $0xb8;
	[tilespmem:$0x17E20] =	vst v63  }
0x43: {  	s1 =	simm.s32 $0x0;
	s20 =	simm.s32 $0xFCE0;
	s21 =	simm.s32 $0x13600  }
0x44: {  	[tilespmem:s21], [sflag:$0x1] =	stream.indirect.gather [hbm4b:s6+s15], $0x40, s20, s15, $0xb8;
	[tilespmem:$0x17E20] =	vst v63  }
.LBB2_22:
0x45: {  	s8 =	sadd.s32 $0x1, s8  }
0x46: {  	p0 =	sne.s32 s8, $0x32  }
.Ltmp4:
0x47: {  	s13 =	sshll.u32 s13, $0xE;
	(pc) =	sbr.rel @!p0 .LBB2_23-.Ltmp4, $4  }
0x48: {  	s13 =	sadd.s32 s9, s13  }
0x49: {  	s13 =	sshrl.u32 s13, $0x3  }
0x4a: {  	s13 =	sadd.s32 s2, s13  }
0x4b: {  	[hbm4b:s13+s3] =	stream.linear.scatter [tilespmem:s11], [sflag:$0x4], $0x4000, $0x38;
	[tilespmem:$0x17E20] =	vst v63  }
.LBB2_4:
0x4c: {  	s13 =	sshllo.u32 s8, $0x1;
	p0 =	seq.s32 s8, $0x0  }
0x4d: {  	s16 =	simm.s32 @!p0 $0x4;
	s18 =	sshll.u32 s13, $0x8  }
0x4e: {  	_ =	swait.ge @!p0 [sflag:s16], $0x4000;
	s18 =	sadd.s32 s4, s18  }
0x4f: {  	[sflag:s16] =	ssyncset.done @!p0 $0x0;
	s18 =	sshrl.u32 s18, $0x3  }
0x50: {  	s21 =	simm.s32 $0xFB00;
	[sflag:s16] =	ssyncadd.s32 @!p0 $0xFFFFC000;
	s20 =	sadd.s32 s5, s18  }
0x51: {  	[tilespmem:s21], [sflag:$0x5] =	stream.linear.gather [hbm4b:s20+s1], $0x100, $0x38;
	[tilespmem:$0x17E20] =	vst v63  }
0x52: {  	_ =	swait.ge [sflag:s12], $0x100  }
0x53: {  	[sflag:s12] =	ssyncset.done $0x0  }
0x54: {  	s19 =	simm.s32 $0x10;
	[sflag:s12] =	ssyncadd.s32 $0xFFFFFF00  }
0x55: {  	s16 =	simm.s32 $0x0;
	s18 =	simm.s32 $0x0;
	s20 =	simm.s32 $0x0;
	[tilespmem:$0x17E10] =	vst v0  }
.LBB2_5:
0x56: {  	p0 =	sne.s32 s19, $0xF0;
	v3 =	vld [tilespmem:s20+$0xFB00];
	_ =	sdelay $0x4  }
0x57: {  	vm0 =	vgt.s32 v3, $0xF423F;
	_ =	sdelay $0x1  }
.Ltmp5:
0x58: {  	s20 =	sand.u32 $0x380, s16;
	(pc) =	sbr.rel @p0 .LBB2_5-.Ltmp5, $4  }
0x59: {  	s21 =	sand.u32 $0x10, s18;
	s18 =	smov.u32 s19;
	s20 =	sshrl.u32 s20, $0x2  }
0x5a: {  	s20 =	sor.u32 s21, s20;
	v3 =	vsel vm0, $0x0, v3  }
0x5b: {  	s16 =	sadd.s32 $0x40, s16;
	[tilespmem:s20+$0xFD00] =	vst v3  }
0x5c: {  	s19 =	sadd.s32 $0x10, s19;
	s20 =	sshra.s32 s16, $0x2;
	[tilespmem:v0+s7+$0x0] =	vst.idx.msk vm0, v1  }
0x5d: {  	v3 =	vld [tilespmem:s20+$0xFB00];
	_ =	sdelay $0x4  }
0x5e: {  	vm0 =	vgt.s32 v3, $0xF423F;
	_ =	sdelay $0x1  }
0x5f: {  	s16 =	sand.u32 $0x380, s16  }
0x60: {  	s18 =	sand.u32 $0x10, s18;
	s16 =	sshrl.u32 s16, $0x2  }
0x61: {  	s16 =	sor.u32 s18, s16;
	v3 =	vsel vm0, $0x0, v3  }
0x62: {  	[tilespmem:s16+$0xFD00] =	vst v3  }
0x63: {  	s21 =	simm.s32 $0xFD00;
	[tilespmem:v0+s7+$0x0] =	vst.idx.msk vm0, v1  }
0x64: {  	[tilespmem:s11], [sflag:$0x2] =	stream.indirect.gather [hbm4b:s6+s15], $0x40, s21, s15, $0xb8;
	[tilespmem:$0x17E20] =	vst v63  }
0x65: {  	s19 =	simm.s32 $0x14600;
	s18 =	simm.s32 $0xFD20  }
0x66: {  	[tilespmem:s19], [sflag:$0x2] =	stream.indirect.gather [hbm4b:s6+s15], $0x40, s18, s15, $0xb8;
	[tilespmem:$0x17E20] =	vst v63  }
0x67: {  	s20 =	simm.s32 $0xFD40;
	s21 =	simm.s32 $0x14E00  }
0x68: {  	[tilespmem:s21], [sflag:$0x2] =	stream.indirect.gather [hbm4b:s6+s15], $0x40, s20, s15, $0xb8;
	[tilespmem:$0x17E20] =	vst v63  }
0x69: {  	s19 =	simm.s32 $0xFD60;
	s20 =	simm.s32 $0x15600  }
0x6a: {  	[tilespmem:s20], [sflag:$0x2] =	stream.indirect.gather [hbm4b:s6+s15], $0x40, s19, s15, $0xb8;
	[tilespmem:$0x17E20] =	vst v63  }
0x6b: {  	_ = 	snop  }
0x6c: {  	[tilespmem:s23], [sflag:$0x2] =	stream.indirect.gather [hbm4b:s6+s15], $0x40, s22, s15, $0xb8;
	[tilespmem:$0x17E20] =	vst v63  }
0x6d: {  	_ = 	snop  }
0x6e: {  	[tilespmem:s25], [sflag:$0x2] =	stream.indirect.gather [hbm4b:s6+s15], $0x40, s24, s15, $0xb8;
	[tilespmem:$0x17E20] =	vst v63  }
0x6f: {  	_ = 	snop  }
0x70: {  	[tilespmem:s28], [sflag:$0x2] =	stream.indirect.gather [hbm4b:s6+s15], $0x40, s26, s15, $0xb8;
	[tilespmem:$0x17E20] =	vst v63  }
0x71: {  	_ = 	snop  }
0x72: {  	[tilespmem:s30], [sflag:$0x2] =	stream.indirect.gather [hbm4b:s6+s15], $0x40, s29, s15, $0xb8;
	[tilespmem:$0x17E20] =	vst v63  }
0x73: {  	_ =	swait.ge [sflag:s31], $0x800  }
0x74: {  	[sflag:s31] =	ssyncset.done $0x0  }
0x75: {  	[sflag:s31] =	ssyncadd.s32 $0xFFFFF800  }
0x76: {  	_ =	swait.ge [sflag:s31], $0x800  }
0x77: {  	[sflag:s31] =	ssyncset.done $0x0  }
0x78: {  	[sflag:s31] =	ssyncadd.s32 $0xFFFFF800  }
0x79: {  	_ =	swait.ge [sflag:s31], $0x800  }
0x7a: {  	[sflag:s31] =	ssyncset.done $0x0  }
0x7b: {  	[sflag:s31] =	ssyncadd.s32 $0xFFFFF800  }
0x7c: {  	_ =	swait.ge [sflag:s31], $0x800  }
0x7d: {  	[sflag:s31] =	ssyncset.done $0x0  }
0x7e: {  	[sflag:s31] =	ssyncadd.s32 $0xFFFFF800  }
0x7f: {  	_ =	swait.ge [sflag:s31], $0x800  }
0x80: {  	[sflag:s31] =	ssyncset.done $0x0  }
0x81: {  	[sflag:s31] =	ssyncadd.s32 $0xFFFFF800  }
0x82: {  	_ =	swait.ge [sflag:s31], $0x800  }
0x83: {  	[sflag:s31] =	ssyncset.done $0x0  }
0x84: {  	[sflag:s31] =	ssyncadd.s32 $0xFFFFF800  }
0x85: {  	_ =	swait.ge [sflag:s31], $0x800  }
0x86: {  	[sflag:s31] =	ssyncset.done $0x0  }
0x87: {  	[sflag:s31] =	ssyncadd.s32 $0xFFFFF800  }
0x88: {  	_ =	swait.ge [sflag:s31], $0x800  }
0x89: {  	[sflag:s31] =	ssyncset.done $0x0  }
0x8a: {  	[sflag:s31] =	ssyncadd.s32 $0xFFFFF800  }
0x8b: {  	v3 =	vld [tilespmem:$0x17E00];
	_ =	sdelay $0x4  }
0x8c: {  	(v2sf) =	vpush v3, $0x0;
	_ =	sdelay $0xe  }
0x8d: {  	s21 =	spop (v2sf)  }
0x8e: {  	p0 =	slt.s32 s21, $0x1  }
.Ltmp6:
0x8f: {  	_ = 	snop;
	(pc) =	sbr.rel @!p0 .LBB2_7-.Ltmp6, $2  }
0x90: {  	_ =	sdelay $0x2  }
0x91: {  	s16 =	simm.s32 $0x0  }
.LBB2_12:
0x92: {  	p0 =	seq.s32 s8, $0x31  }
.Ltmp7:
0x93: {  	s16 =	sshll.u32 s8, $0xF;
	(pc) =	sbr.rel @p0 .LBB2_16-.Ltmp7, $4  }
0x94: {  	s16 =	sadd.s32 s9, s16  }
0x95: {  	s16 =	sshrl.u32 s16, $0x3  }
0x96: {  	s16 =	sadd.s32 s2, s16  }
0x97: {  	[hbm4b:s16+s3] =	stream.linear.scatter [tilespmem:s17], [sflag:$0x3], $0x4000, $0x38;
	[tilespmem:$0x17E20] =	vst v63  }
0x98: {  	_ =	swait.ge [sflag:s10], $0x4000  }
0x99: {  	s16 =	sshll.u32 s8, $0x9;
	s18 =	rddreg [dreg:$0x5]  }
0x9a: {  	s16 =	sadd.s32 s16, s18  }
0x9b: {  	s19 =	simm.s32 $0xFA00;
	[sflag:s10] =	ssyncset.done $0x0;
	s16 =	sshrl.u32 s16, $0x3  }
0x9c: {  	[sflag:s10] =	ssyncadd.s32 $0xFFFFC000;
	s21 =	sadd.s32 s5, s16;
	s16 =	simm.s32 $0x0  }
0x9d: {  	[tilespmem:s19], [sflag:$0x5] =	stream.linear.gather [hbm4b:s21+s16], $0x100, $0x38;
	[tilespmem:$0x17E20] =	vst v63  }
0x9e: {  	_ =	swait.ge [sflag:s12], $0x100  }
0x9f: {  	[sflag:s12] =	ssyncset.done $0x0  }
0xa0: {  	[sflag:s12] =	ssyncadd.s32 $0xFFFFFF00  }
0xa1: {  	s20 =	simm.s32 $0x0;
	s18 =	simm.s32 $0x0;
	s19 =	simm.s32 $0x10;
	[tilespmem:$0x17E00] =	vst v0  }
.LBB2_14:
0xa2: {  	p0 =	sne.s32 s19, $0xF0;
	v3 =	vld [tilespmem:s20+$0xFA00];
	_ =	sdelay $0x4  }
0xa3: {  	vm0 =	vgt.s32 v3, $0xF423F;
	_ =	sdelay $0x1  }
.Ltmp8:
0xa4: {  	s20 =	sand.u32 $0x380, s16;
	(pc) =	sbr.rel @p0 .LBB2_14-.Ltmp8, $4  }
0xa5: {  	s21 =	sand.u32 $0x10, s18;
	s18 =	smov.u32 s19;
	s20 =	sshrl.u32 s20, $0x2  }
0xa6: {  	s20 =	sor.u32 s21, s20;
	v3 =	vsel vm0, $0x0, v3  }
0xa7: {  	s16 =	sadd.s32 $0x40, s16;
	[tilespmem:s20+$0xFC00] =	vst v3  }
0xa8: {  	s19 =	sadd.s32 $0x10, s19;
	s20 =	sshra.s32 s16, $0x2;
	[tilespmem:v0+s14+$0x0] =	vst.idx.msk vm0, v1  }
0xa9: {  	v3 =	vld [tilespmem:s20+$0xFA00];
	_ =	sdelay $0x4  }
0xaa: {  	vm0 =	vgt.s32 v3, $0xF423F;
	_ =	sdelay $0x1  }
0xab: {  	s16 =	sand.u32 $0x380, s16  }
0xac: {  	s18 =	sand.u32 $0x10, s18;
	s16 =	sshrl.u32 s16, $0x2  }
0xad: {  	s16 =	sor.u32 s18, s16;
	v3 =	vsel vm0, $0x0, v3  }
0xae: {  	[tilespmem:s16+$0xFC00] =	vst v3  }
0xaf: {  	s19 =	simm.s32 $0xFC00;
	[tilespmem:v0+s14+$0x0] =	vst.idx.msk vm0, v1  }
0xb0: {  	[tilespmem:s17], [sflag:$0x1] =	stream.indirect.gather [hbm4b:s6+s15], $0x40, s19, s15, $0xb8;
	[tilespmem:$0x17E20] =	vst v63  }
0xb1: {  	s20 =	simm.s32 $0xFC20;
	s21 =	simm.s32 $0x10600  }
0xb2: {  	[tilespmem:s21], [sflag:$0x1] =	stream.indirect.gather [hbm4b:s6+s15], $0x40, s20, s15, $0xb8;
	[tilespmem:$0x17E20] =	vst v63  }
0xb3: {  	s18 =	simm.s32 $0xFC40;
	s19 =	simm.s32 $0x10E00  }
0xb4: {  	[tilespmem:s19], [sflag:$0x1] =	stream.indirect.gather [hbm4b:s6+s15], $0x40, s18, s15, $0xb8;
	[tilespmem:$0x17E20] =	vst v63  }
0xb5: {  	s20 =	simm.s32 $0xFC60;
	s21 =	simm.s32 $0x11600  }
0xb6: {  	[tilespmem:s21], [sflag:$0x1] =	stream.indirect.gather [hbm4b:s6+s15], $0x40, s20, s15, $0xb8;
	[tilespmem:$0x17E20] =	vst v63  }
0xb7: {  	s18 =	simm.s32 $0xFC80;
	s19 =	simm.s32 $0x11E00  }
0xb8: {  	[tilespmem:s19], [sflag:$0x1] =	stream.indirect.gather [hbm4b:s6+s15], $0x40, s18, s15, $0xb8;
	[tilespmem:$0x17E20] =	vst v63  }
0xb9: {  	s20 =	simm.s32 $0xFCA0;
	s21 =	simm.s32 $0x12600  }
0xba: {  	[tilespmem:s21], [sflag:$0x1] =	stream.indirect.gather [hbm4b:s6+s15], $0x40, s20, s15, $0xb8;
	[tilespmem:$0x17E20] =	vst v63  }
0xbb: {  	s18 =	simm.s32 $0xFCC0;
	s19 =	simm.s32 $0x12E00  }
0xbc: {  	[tilespmem:s19], [sflag:$0x1] =	stream.indirect.gather [hbm4b:s6+s15], $0x40, s18, s15, $0xb8;
	[tilespmem:$0x17E20] =	vst v63  }
0xbd: {  	s20 =	simm.s32 $0xFCE0;
	s21 =	simm.s32 $0x13600  }
0xbe: {  	[tilespmem:s21], [sflag:$0x1] =	stream.indirect.gather [hbm4b:s6+s15], $0x40, s20, s15, $0xb8;
	[tilespmem:$0x17E20] =	vst v63  }
.LBB2_16:
0xbf: {  	_ =	swait.ge [sflag:s0], $0x800  }
0xc0: {  	[sflag:s0] =	ssyncset.done $0x0  }
0xc1: {  	[sflag:s0] =	ssyncadd.s32 $0xFFFFF800  }
0xc2: {  	_ =	swait.ge [sflag:s0], $0x800  }
0xc3: {  	[sflag:s0] =	ssyncset.done $0x0  }
0xc4: {  	[sflag:s0] =	ssyncadd.s32 $0xFFFFF800  }
0xc5: {  	_ =	swait.ge [sflag:s0], $0x800  }
0xc6: {  	[sflag:s0] =	ssyncset.done $0x0  }
0xc7: {  	[sflag:s0] =	ssyncadd.s32 $0xFFFFF800  }
0xc8: {  	_ =	swait.ge [sflag:s0], $0x800  }
0xc9: {  	[sflag:s0] =	ssyncset.done $0x0  }
0xca: {  	[sflag:s0] =	ssyncadd.s32 $0xFFFFF800  }
0xcb: {  	_ =	swait.ge [sflag:s0], $0x800  }
0xcc: {  	[sflag:s0] =	ssyncset.done $0x0  }
0xcd: {  	[sflag:s0] =	ssyncadd.s32 $0xFFFFF800  }
0xce: {  	_ =	swait.ge [sflag:s0], $0x800  }
0xcf: {  	[sflag:s0] =	ssyncset.done $0x0  }
0xd0: {  	[sflag:s0] =	ssyncadd.s32 $0xFFFFF800  }
0xd1: {  	_ =	swait.ge [sflag:s0], $0x800  }
0xd2: {  	[sflag:s0] =	ssyncset.done $0x0  }
0xd3: {  	[sflag:s0] =	ssyncadd.s32 $0xFFFFF800  }
0xd4: {  	_ =	swait.ge [sflag:s0], $0x800  }
0xd5: {  	[sflag:s0] =	ssyncset.done $0x0  }
0xd6: {  	[sflag:s0] =	ssyncadd.s32 $0xFFFFF800  }
0xd7: {  	v3 =	vld [tilespmem:$0x17E10];
	_ =	sdelay $0x4  }
0xd8: {  	(v2sf) =	vpush v3, $0x0;
	_ =	sdelay $0xe  }
0xd9: {  	s16 =	spop (v2sf)  }
0xda: {  	p0 =	slt.s32 s16, $0x1  }
.Ltmp9:
0xdb: {  	_ = 	snop;
	(pc) =	sbr.rel @!p0 .LBB2_17-.Ltmp9, $4  }
.Ltmp10:
0xdc: {  	_ = 	snop;
	(pc) =	sbr.rel @p0 .LBB2_22-.Ltmp10, $4  }
0xdd: {  	_ = 	snop  }
0xde: {  	_ = 	snop  }
0xdf: {  	s16 =	simm.s32 $0x0  }
0xe0: {  	_ = 	snop  }
.LBB2_11:
0xe1: {  	s16 =	sadd.s32 $0x1, s16  }
0xe2: {  	p0 =	sne.s32 s16, $0x10  }
.Ltmp11:
0xe3: {  	_ = 	snop;
	(pc) =	sbr.rel @!p0 .LBB2_12-.Ltmp11, $1  }
0xe4: {  	_ =	sdelay $0x3  }
.LBB2_7:
0xe5: {  	s18 =	sshll.u32 s16, $0x4  }
0xe6: {  	v3 =	vld [tilespmem:s18+$0xFA00];
	_ =	sdelay $0x4  }
0xe7: {  	vm0 =	vgt.s32 v3, $0xF423F  }
0xe8: {  	v4 =	vmpcnt.ones.xlane vm0;
	_ =	sdelay $0x1  }
0xe9: {  	(v2sf) =	vpush v4, $0x0;
	_ =	sdelay $0xe  }
0xea: {  	s19 =	spop (v2sf)  }
0xeb: {  	p0 =	slt.s32 s19, $0x1  }
.Ltmp12:
0xec: {  	_ = 	snop;
	(pc) =	sbr.rel @p0 .LBB2_11-.Ltmp12, $1  }
0xed: {  	_ =	sdelay $0x3  }
0xee: {  	vm1 =	vgt.s32 v3, $0xF4240  }
0xef: {  	s19 =	simm.s32 $0x0;
	v3 =	vnsel vm1, $0xF4240, v3  }
0xf0: {  	v4 =	vmov s19;
	v3 =	vshll.u32 v3, $0x6  }
0xf1: {  	v5 =	vmov s18;
	v6 =	vand.u32 $0x38, v4;
	v3 =	vadd.s32 $0xFC2F7000, v3  }
0xf2: {  	v7 =	vshll.u32 v5, $0x6;
	v5 =	vand.u32 $0x7, v4;
	v8 =	vor.u32 v3, v6  }
0xf3: {  	v8 =	vor.u32 v5, v8;
	_ =	sdelay $0x2  }
0xf4: {  	s21 =	simm.s32 $0x1  }
0xf5: {  	s18 =	simm.s32 $0x2;
	v4 =	vor.u32 v2, v7;
	v7 =	vmov s21  }
.LBB2_9:
0xf6: {  	p0 =	sne.s32 s18, $0x3F;
	v9 =	vld.idx.msk [tilespmem:v8+s3+$0x0], vm0;
	v8 =	vor.u32 v4, v6;
	v6 =	vand.u32 $0x38, v7  }
0xf7: {  	v10 =	vor.u32 v3, v6;
	v11 =	vor.u32 v5, v8;
	v5 =	vand.u32 $0x7, v7  }
.Ltmp13:
0xf8: {  	v8 =	vor.u32 v5, v10;
	(pc) =	sbr.rel @p0 .LBB2_9-.Ltmp13, $2  }
0xf9: {  	_ =	sdelay $0x2  }
0xfa: {  	v7 =	vmov s18;
	s18 =	sadd.s32 $0x1, s18;
	[tilespmem:v11+s17+$0x0] =	vst.idx.msk vm0, v9  }
0xfb: {  	_ =	sdelay $0x3  }
0xfc: {  	v9 =	vand.u32 $0x38, v7;
	v6 =	vor.u32 v4, v6  }
0xfd: {  	v8 =	vld.idx.msk [tilespmem:v8+s3+$0x0], vm0;
	v62 =	vand.u32 $0x7, v7;
	v3 =	vor.u32 v3, v9;
	v5 =	vor.u32 v5, v6  }
0xfe: {  	v3 =	vor.u32 v62, v3;
	_ =	sdelay $0x3  }
0xff: {  	v63 =	vor.u32 v4, v9;
	[tilespmem:v5+s17+$0x0] =	vst.idx.msk vm0, v8  }
0x100: {  	v4 =	vor.u32 v62, v63;
	v3 =	vld.idx.msk [tilespmem:v3+s3+$0x0], vm0  }
.Ltmp14:
0x101: {  	_ = 	snop;
	(pc) =	sbr.rel .LBB2_11-.Ltmp14, $2  }
0x102: {  	_ =	sdelay $0x2  }
0x103: {  	[tilespmem:v4+s17+$0x0] =	vst.idx.msk vm0, v3  }
.LBB2_21:
0x104: {  	s16 =	sadd.s32 $0x1, s16  }
0x105: {  	p0 =	sne.s32 s16, $0x10  }
.Ltmp15:
0x106: {  	_ = 	snop;
	(pc) =	sbr.rel @!p0 .LBB2_22-.Ltmp15, $1  }
0x107: {  	_ =	sdelay $0x3  }
.LBB2_17:
0x108: {  	s18 =	sshll.u32 s16, $0x4  }
0x109: {  	v3 =	vld [tilespmem:s18+$0xFB00];
	_ =	sdelay $0x4  }
0x10a: {  	vm0 =	vgt.s32 v3, $0xF423F  }
0x10b: {  	v4 =	vmpcnt.ones.xlane vm0;
	_ =	sdelay $0x1  }
0x10c: {  	(v2sf) =	vpush v4, $0x0;
	_ =	sdelay $0xe  }
0x10d: {  	s19 =	spop (v2sf)  }
0x10e: {  	p0 =	slt.s32 s19, $0x1  }
.Ltmp16:
0x10f: {  	_ = 	snop;
	(pc) =	sbr.rel @p0 .LBB2_21-.Ltmp16, $1  }
0x110: {  	_ =	sdelay $0x3  }
0x111: {  	vm1 =	vgt.s32 v3, $0xF4240  }
0x112: {  	s19 =	simm.s32 $0x0;
	v3 =	vnsel vm1, $0xF4240, v3  }
0x113: {  	v4 =	vmov s19;
	v3 =	vshll.u32 v3, $0x6  }
0x114: {  	v5 =	vmov s18;
	v6 =	vand.u32 $0x38, v4;
	v3 =	vadd.s32 $0xFC2F7000, v3  }
0x115: {  	v7 =	vshll.u32 v5, $0x6;
	v5 =	vand.u32 $0x7, v4;
	v8 =	vor.u32 v3, v6  }
0x116: {  	v8 =	vor.u32 v5, v8;
	_ =	sdelay $0x2  }
0x117: {  	s21 =	simm.s32 $0x1  }
0x118: {  	s18 =	simm.s32 $0x2;
	v4 =	vor.u32 v2, v7;
	v7 =	vmov s21  }
.LBB2_19:
0x119: {  	p0 =	sne.s32 s18, $0x3F;
	v9 =	vld.idx.msk [tilespmem:v8+s3+$0x0], vm0;
	v8 =	vor.u32 v4, v6;
	v6 =	vand.u32 $0x38, v7  }
0x11a: {  	v10 =	vor.u32 v3, v6;
	v11 =	vor.u32 v5, v8;
	v5 =	vand.u32 $0x7, v7  }
.Ltmp17:
0x11b: {  	v8 =	vor.u32 v5, v10;
	(pc) =	sbr.rel @p0 .LBB2_19-.Ltmp17, $2  }
0x11c: {  	_ =	sdelay $0x2  }
0x11d: {  	v7 =	vmov s18;
	s18 =	sadd.s32 $0x1, s18;
	[tilespmem:v11+s11+$0x0] =	vst.idx.msk vm0, v9  }
0x11e: {  	_ =	sdelay $0x3  }
0x11f: {  	v9 =	vand.u32 $0x38, v7;
	v6 =	vor.u32 v4, v6  }
0x120: {  	v8 =	vld.idx.msk [tilespmem:v8+s3+$0x0], vm0;
	v62 =	vand.u32 $0x7, v7;
	v3 =	vor.u32 v3, v9;
	v5 =	vor.u32 v5, v6  }
0x121: {  	v3 =	vor.u32 v62, v3;
	_ =	sdelay $0x3  }
0x122: {  	v63 =	vor.u32 v4, v9;
	[tilespmem:v5+s11+$0x0] =	vst.idx.msk vm0, v8  }
0x123: {  	v4 =	vor.u32 v62, v63;
	v3 =	vld.idx.msk [tilespmem:v3+s3+$0x0], vm0  }
.Ltmp18:
0x124: {  	_ = 	snop;
	(pc) =	sbr.rel .LBB2_21-.Ltmp18, $2  }
0x125: {  	_ =	sdelay $0x2  }
0x126: {  	[tilespmem:v4+s11+$0x0] =	vst.idx.msk vm0, v3  }
.LBB2_24:
0x127: {  	_ =	sfence.sel $0x180000  }
0x128: {  	[bflag:$0x0] =	sbarrier.arrive $0xFFFF  }
0x129: {  	_ =	strace $0x90000047  }
0x12a: {  	s0 =	stileid.u32;
	[bflag:$0x2] =	sbarrier.arrive $0xFFFF  }
0x12b: {  	p0 =	sne.s32 s0, $0x0;
	s0 =	rddreg [dreg:$0x2]  }
0x12c: {  	s0 =	sadd.s32 @!p0 $0x100000, s0  }
0x12d: {  	[sflag:s0] =	ssyncadd.tile.s32 @!p0 $0x1;
	_ =	shalt  }
.Lfunc_end2:
_tile_overlayer_lowered:
.L_overlay_start_2:
0x12e: {  	(tag) =	ssettag $0x2  }
0x12f: {  	s0 =	rddreg [dreg:$0x0];
	s2 =	stileid.u32  }
0x130: {  	s1 =	rddreg [dreg:$0x1];
	p0 =	sne.s32 s2, $0x0  }
0x131: {  	s3 =	rddreg [dreg:$0x2];
	[bflag:$0x3] =	sbarrier.arrive $0xFFFF;
	s2 =	simm.s32 @!p0 $0x1C05  }
0x132: {  	[timem:s3], [sflag:s2] =	dma.local @!p0 [hbm:s0], s1  }
0x133: {  	s0 =	simm.s32 @!p0 $0x5  }
0x134: {  	_ =	swait.ge @!p0 [sflag:s0], s1  }
0x135: {  	s1 =	ssub.s32 @!p0 $0x0, s1;
	[sflag:s0] =	ssyncset.done @!p0 $0x0  }
0x136: {  	[sflag:s0] =	ssyncadd.s32 @!p0 s1  }
0x137: {  	[bflag:$0x3] =	sbarrier.arrive $0xFFFF  }
0x138: {  	_ =	shalt  }

// kernel: sparse-core-data-format-call.cloned.1.call-start
scs
called_computation_lowered:
.L_overlay_start_0:
0x0: {  	s2 =	sld [smem:$0x3FD9]  }
0x1: {  	s3 =	sld [smem:$0x3FFE];
	_ =	sdelay $0x1  }
0x2: {  	s1 =	srdreg.scid  }
0x3: {  	s0 =	sand.u32 $0x1, s1  }
0x4: {  	s18 =	sshll.u32 s0, $0xA;
	s2 =	sadd.s32 s3, s2  }
0x5: {  	s2 =	sadd.s32 s2, s18  }
0x6: {  	[smem:$0x3FC5] =	sst s2  }
0x7: {  	_ = 	snop  }
0x8: {  	s2 =	sld [smem:$0x3FD0];
	(tm) =	ssettm $0x1  }
0x9: {  	s19 =	sld [smem:$0x3FFB];
	_ =	sdelay $0x3  }
0xa: {  	_ =	strace s19  }
0xb: {  	s3 =	sld [smem:$0x3FFC];
	_ =	sdelay $0x3  }
0xc: {  	_ =	strace s3  }
0xd: {  	s3 =	sld [smem:$0x3FFD];
	_ =	sdelay $0x3  }
0xe: {  	_ =	strace s3  }
0xf: {  	_ =	strace $0x8FFFFFFF  }
0x10: {  	s20 =	sld [smem:$0x3FDB];
	_ =	sdelay $0x1  }
0x11: {  	s4 =	simm.s32 $_scs_section_size  }
0x12: {  	s5 =	simm.s32 $_size__tile_overlayer_lowered;
	s6 =	simm.s32 $_tile_overlayer_lowered  }
0x13: {  	s23 =	simm.s32 $0x1BFF;
	s22 =	sshll.u32 s6, $0x1;
	s3 =	sadd.s32 s4, s20  }
0x14: {  	s7 =	simm.s32 $0x0;
	s21 =	sshll.u32 s5, $0x1;
	s5 =	sadd.s32 s22, s3  }
0x15: {  	[timem:s7], [sflag:s23] =	dma.local [hbm:s5], s21  }
0x16: {  	_ =	swait.ge [sflag:s23], s21  }
0x17: {  	s4 =	ssub.s32 $0x0, s21;
	[sflag:s23] =	ssyncset.done $0x0  }
0x18: {  	[sflag:s23] =	ssyncadd.s32 s4;
	_ =	sdelay $0x1  }
0x19: {  	s24 =	simm.s32 $0x1B8B  }
0x1a: {  	_ =	swait.ge [sflag:s24], $0x1  }
0x1b: {  	[sflag:s24] =	ssyncset.done $0x0  }
0x1c: {  	s26 =	simm.s32 $0x1B8E;
	s25 =	sld [smem:$0x3FFE];
	[sflag:s24] =	ssyncadd.s32 $0xFFFFFFFF  }
0x1d: {  	s27 =	simm.s32 $execute0_lowered;
	[smem:$0x3FD2] =	sst s26  }
0x1e: {  	s5 =	sshll.u32 s27, $0x1;
	_ =	strace $0x80000049;
	[dreg:$0x1] =	wrdreg $0xFFFFFFFF  }
0x1f: {  	s28 =	simm.s32 $_size_execute0_lowered;
	s3 =	sadd.s32 s3, s5;
	[dreg:$0x0] =	wrdreg $0x0  }
0x20: {  	s5 =	sshll.u32 s28, $0x1;
	[dreg:$0x2] =	wrdreg s3  }
0x21: {  	[dreg:$0x3] =	wrdreg s5  }
0x22: {  	[dreg:$0x4] =	wrdreg $0xC0  }
0x23: {  	_ =	task [dreg:s7], $0x5FFFF  }
0x24: {  	[dreg:$0x1] =	wrdreg $0xFFFFFFFF  }
0x25: {  	[dreg:$0x0] =	wrdreg $0x60  }
0x26: {  	[dreg:$0x2] =	wrdreg s25  }
0x27: {  	[dreg:$0x3] =	wrdreg s2  }
0x28: {  	[dreg:$0x4] =	wrdreg $0x9  }
0x29: {  	_ =	task.clear_ibuf [dreg:s7], $0x5FFFF;
	_ =	strace $0x90000049  }
0x2a: {  	s29 =	simm.s32 $0x9;
	_ =	strace $0x8000004B  }
0x2b: {  	_ =	swait.ge [sflag:s29], $0x1  }
0x2c: {  	[sflag:s29] =	ssyncadd.s32 $0xFFFFFFFF  }
0x2d: {  	_ =	strace $0x9000004B  }
0x2e: {  	_ =	sfence  }
0x2f: {  	s30 =	sld [smem:$0x0];
	_ =	sdelay $0x2  }
0x30: {  	s31 =	sshll.u32 s1, $0xD;
	s1 =	sshrl.u32 s1, $0x2  }
0x31: {  	s3 =	sand.u32 $0x4000, s31;
	s1 =	sadd.s32 s1, s30  }
0x32: {  	s0 =	sor.u32 s3, s0;
	s1 =	sshll.u32 s1, $0x11  }
0x33: {  	s0 =	sor.u32 s1, s0  }
0x34: {  	s0 =	sadd.s32 $0x8F2B, s0  }
0x35: {  	[sflag:s0] =	ssyncadd.remote.s32 $0x1  }
0x36: {  	_ =	sfence.sel $0xFFFF  }
0x37: {  	[dreg:$0x0] =	wrdreg $0xFFFFFFFF;
	(pc) =	sbr.abs _section_cstart, $3  }
0x38: {  	[dreg:$0x1] =	wrdreg $0xFFFFFFFF  }
0x39: {  	_ =	task.clear_ibuf [dreg:s7], $0x2FFFF;
	_ =	strace $0x9FFFFFFF  }
0x3a: {  	(tm) =	ssettm $0x7FFFFFFF  }
0x3b: {  	_ =	shalt  }
tec
execute0_lowered:
.L_overlay_start_1:
0x0: {  	(tag) =	ssettag $0x1  }
0x1: {  	s0 =	srdreg.scid  }
0x2: {  	s1 =	sshll.u32 s0, $0x4  }
0x3: {  	s0 =	stileid.u32;
	s1 =	sand.u32 $0x10, s1  }
0x4: {  	s1 =	sor.u32 s0, s1  }
0x5: {  	s6 =	rddreg [dreg:$0x0];
	s4 =	simm.s32 $0x1;
	s2 =	sshll.u32 s1, $0x7  }
0x6: {  	s7 =	simm.s32 $0x2;
	s12 =	simm.s32 $0x0;
	s1 =	ssub.s32 $0x4000, s2  }
0x7: {  	s8 =	simm.s32 $0x20000;
	s13 =	simm.s32 $0x0;
	s3 =	sand.u32 $0xF80, s1  }
0x8: {  	s9 =	simm.s32 $0x0;
	s5 =	sshrl.u32 s1, $0xC;
	p0 =	sne.s32 s3, $0x0  }
.Ltmp0:
0x9: {  	s1 =	rddreg [dreg:$0x2];
	s4 =	simm.s32 @!p0 $0x0;
	(pc) =	sbr.rel .LBB1_1-.Ltmp0, $4  }
0xa: {  	s11 =	simm.s32 $0x0;
	s3 =	rddreg [dreg:$0x1];
	s5 =	sadd.s32 s4, s5  }
0xb: {  	_ =	strace $0x8000004A;
	s4 =	simm.s32 $0x1;
	s5 =	smul.u32 $0x32, s5  }
0xc: {  	s6 =	sadd.s32 $0xC00, s6;
	s10 =	smov.u32 s2;
	[sflag:s4] =	ssyncpa.u1 $0x0  }
0xd: {  	p0 =	por $0x0, $0x0;
	[sflag:s7] =	ssyncpa.u1 $0x0;
	s7 =	sor.u32 $0x1, s5  }
.LBB1_4:
0xe: {  	s16 =	sshll.u32 s13, $0x3;
	s17 =	sand.u32 $0x78, s13  }
0xf: {  	s30 =	sand.u32 $0x1F800, s13;
	s12 =	sshll.u32 s12, $0x11;
	s16 =	sand.u32 $0x3C00, s16  }
0x10: {  	[tilespmem:s15+$0x810 ss:$0x81] =	vst.msk $0xffff, v2;
	s31 =	sand.u32 $0x7, s13;
	s16 =	sor.u32 s17, s16;
	s17 =	sadd.s32 s3, s30  }
0x11: {  	[tilespmem:s15+$0x1020 ss:$0x81] =	vst.msk $0xffff, v0;
	s13 =	sshll.u32 s31, $0x12;
	s12 =	sadd.s32 s12, s17;
	s16 =	sshrl.u32 s16, $0x3  }
0x12: {  	[tilespmem:s15+$0x0 ss:$0x81] =	vst.msk $0xffff, v1;
	s13 =	sor.u32 $0x400, s13;
	s12 =	sadd.s32 s16, s12  }
0x13: {  	[hbm4b:s12+s13] =	stream.strided.scatter [tilespmem:s14], [sflag:$0x2], $0x2000, s8, s13, $0x20;
	[tilespmem:$0x8080] =	vst v63  }
.LBB1_5:
0x14: {  	s14 =	sadd.s32 $0x1, s9  }
0x15: {  	s12 =	sadd.s32 $0x1000, s10;
	s16 =	smov.u32 s10;
	p2 =	sgt.s32 s14, $0x31  }
0x16: {  	s16 =	smov.u32 @p2 s12  }
0x17: {  	s14 =	simm.s32 @p2 $0x0;
	p2 =	sgt.s32 s16, $0x3FFF  }
0x18: {  	s16 =	smov.u32 @p2 s2;
	p2 =	sne.s32 s11, s7  }
.Ltmp1:
0x19: {  	p1 =	slt.u32 s11, $0x2;
	(pc) =	sbr.rel @!p2 .LBB1_6-.Ltmp1, $4  }
0x1a: {  	s15 =	simm.s32 @!p1 $0x2  }
0x1b: {  	s13 =	smov.u32 s10;
	p0 =	por !p0, !p0;
	_ =	swait.ge @!p1 [sflag:s15], $0x2000  }
0x1c: {  	s12 =	smov.u32 s9;
	[sflag:s15] =	ssyncset.done @!p1 $0x0;
	s9 =	smov.u32 s14  }
0x1d: {  	s11 =	sadd.s32 $0x1, s11;
	[sflag:s15] =	ssyncadd.s32 @!p1 $0xFFFFE000;
	s10 =	smov.u32 s16  }
.LBB1_1:
0x1e: {  	p1 =	sge.u32 s11, s5  }
0x1f: {  	s14 =	sand.u32 @!p1 $0x1FFFFFF, s9  }
0x20: {  	s15 =	smulhi.u32 @!p1 $0x4924925, s14;
	_ =	sdelay $0x1  }
0x21: {  	s15 =	smul.u32 @!p1 $0x38, s15  }
0x22: {  	s16 =	sxor.u32 @!p1 $0xFFFFFFFF, s11;
	s17 =	smul.u32 @!p1 $0x380, s10  }
0x23: {  	s31 =	sadd.s32 $0xFFFFFFFF, s11;
	s16 =	sshll.u32 @!p1 s16, $0xD;
	s14 =	ssub.s32 @!p1 s14, s15  }
0x24: {  	s15 =	sand.u32 @!p1 $0x2000, s16;
	s16 =	sadd.s32 @!p1 s6, s17;
	s14 =	sshll.u32 @!p1 s14, $0x4  }
0x25: {  	s17 =	simm.s32 @!p1 $0x1C00;
	s14 =	sadd.s32 @!p1 s14, s16;
	s16 =	simm.s32 @!p1 $0x40  }
0x26: {  	[tilespmem:s15], [sflag:$0x1] =	stream.strided.gather @!p1 [hbm4b:s14+s16], $0x2000, s17, s16, $0x38;
	[tilespmem:$0x8080] =	vst v63  }
0x27: {  	p1 =	sge.u32 s31, s5  }
.Ltmp2:
0x28: {  	_ = 	snop;
	(pc) =	sbr.rel @p1 .LBB1_5-.Ltmp2, $1  }
0x29: {  	_ =	sdelay $0x3  }
0x2a: {  	s14 =	simm.s32 $0x1  }
0x2b: {  	_ =	swait.ge [sflag:s4], $0x2000;
	s14 =	simm.s32 @!p0 $0x0  }
0x2c: {  	[sflag:s4] =	ssyncset.done $0x0;
	s15 =	sshll.u32 s14, $0xD  }
0x2d: {  	[sflag:s4] =	ssyncadd.s32 $0xFFFFE000;
	s18 =	sor.u32 $0x20, s15  }
0x2e: {  	s14 =	smul.u32 $0x8100, s14;
	v3 =	vld [tilespmem:s18+$0x10]  }
0x2f: {  	s30 =	sand.u32 $0x1, s11;
	v2 =	vld [tilespmem:s18+$0xFFFFFFF0]  }
0x30: {  	s15 =	smul.u32 $0x8100, s30;
	s14 =	sshrl.u32 s14, $0x2;
	v0 =	vld [tilespmem:s18+$0x0]  }
0x31: {  	v1 =	vld [tilespmem:s18+$0xFFFFFFE0];
	s16 =	sor.u32 $0x4000, s14  }
0x32: {  	s31 =	sshrl.u32 s15, $0x2;
	s15 =	sadd.s32 $0x0, s16  }
0x33: {  	s17 =	simm.s32 $0x4;
	s18 =	sadd.s32 $0x40, s18;
	s14 =	sor.u32 $0x4000, s31;
	[tilespmem:s15+$0x1830 ss:$0x81] =	vst.msk $0xffff, v3  }
.LBB1_3:
0x34: {  	v3 =	vld [tilespmem:s18+$0x10];
	p1 =	sne.s32 s17, $0x1FC;
	[tilespmem:s15+$0x810 ss:$0x81] =	vst.msk $0xffff, v2;
	s19 =	smov.u32 s17;
	s17 =	sadd.s32 $0x4, s17  }
.Ltmp3:
0x35: {  	v2 =	vld [tilespmem:s18+$0xFFFFFFF0];
	[tilespmem:s15+$0x1020 ss:$0x81] =	vst.msk $0xffff, v0;
	(pc) =	sbr.rel @p1 .LBB1_3-.Ltmp3, $4  }
0x36: {  	v0 =	vld [tilespmem:s18+$0x0];
	[tilespmem:s15+$0x0 ss:$0x81] =	vst.msk $0xffff, v1  }
0x37: {  	s15 =	sshra.s32 s19, $0x2;
	v1 =	vld [tilespmem:s18+$0xFFFFFFE0]  }
0x38: {  	s15 =	sadd.s32 s15, s16  }
0x39: {  	s18 =	sadd.s32 $0x40, s18;
	[tilespmem:s15+$0x1830 ss:$0x81] =	vst.msk $0xffff, v3  }
.Ltmp4:
0x3a: {  	_ = 	snop;
	(pc) =	sbr.rel .LBB1_4-.Ltmp4, $1  }
0x3b: {  	_ =	sdelay $0x3  }
.LBB1_6:
0x3c: {  	_ =	sfence.sel $0x180000  }
0x3d: {  	s2 =	simm.s32 $0x1;
	[bflag:$0x0] =	sbarrier.arrive $0xFFFF  }
0x3e: {  	s31 =	simm.s32 $0x2;
	[sflag:s2] =	ssyncpa.u1 $0x1  }
0x3f: {  	[sflag:s31] =	ssyncpa.u1 $0x1  }
0x40: {  	p0 =	sne.s32 s0, $0x0;
	_ =	strace $0x9000004A  }
0x41: {  	s0 =	sadd.s32 @!p0 $0x100000, s1;
	[bflag:$0x2] =	sbarrier.arrive $0xFFFF  }
0x42: {  	[sflag:s0] =	ssyncadd.tile.s32 @!p0 $0x1;
	_ =	shalt  }
.Lfunc_end1:
_tile_overlayer_lowered:
.L_overlay_start_2:
0x43: {  	(tag) =	ssettag $0x2  }
0x44: {  	s0 =	rddreg [dreg:$0x0];
	s2 =	stileid.u32  }
0x45: {  	s1 =	rddreg [dreg:$0x1];
	p0 =	sne.s32 s2, $0x0  }
0x46: {  	s3 =	rddreg [dreg:$0x2];
	[bflag:$0x3] =	sbarrier.arrive $0xFFFF;
	s2 =	simm.s32 @!p0 $0x1C01  }
0x47: {  	[timem:s3], [sflag:s2] =	dma.local @!p0 [hbm:s0], s1  }
0x48: {  	s0 =	simm.s32 @!p0 $0x1  }
0x49: {  	_ =	swait.ge @!p0 [sflag:s0], s1  }
0x4a: {  	s1 =	ssub.s32 @!p0 $0x0, s1;
	[sflag:s0] =	ssyncset.done @!p0 $0x0  }
0x4b: {  	[sflag:s0] =	ssyncadd.s32 @!p0 s1  }
0x4c: {  	[bflag:$0x3] =	sbarrier.arrive $0xFFFF  }
0x4d: {  	_ =	shalt  }

</sc_bundles>
